<compile_context>
chip_gen: v7x
topology: tpu7x:2x2x1
jax: 0.10.2.dev20260603
libtpu: 0.0.44.dev20260713+nightly
codegen_flags: <defaults>
</compile_context>

<pallas_src>
import functools

import jax
import jax.numpy as jnp
from jax import lax
from jax.experimental import pallas as pl
from jax.experimental.pallas import tpu as pltpu
from jax.experimental.pallas import tpu_sc as plsc

NC = 2
NS = 16
K = 128


def _make_sc_agg(n, hd, n_chunks, acc_rows):
  z_rows = acc_rows // NS

  mesh = plsc.VectorSubcoreMesh(core_axis_name="c", subcore_axis_name="s")

  @functools.partial(
      pl.kernel,
      out_type=jax.ShapeDtypeStruct((NC, acc_rows, hd), jnp.float32),
      mesh=mesh,
      scratch_types=[
          pltpu.VMEM((n_chunks, K), jnp.int32),
          pltpu.VMEM((n_chunks, K), jnp.int32),
          pltpu.VMEM((K, hd), jnp.float32),
          pltpu.SemaphoreType.DMA,
          pltpu.VMEM_SHARED((acc_rows, hd), jnp.float32),
      ],
  )
  def sc_agg(xs_hbm, src_hbm, dst_hbm, zeros_hbm, out_hbm,
             srcv, dstv, gbuf, sem, acc):
    c = lax.axis_index("c")
    s = lax.axis_index("s")
    pltpu.sync_copy(zeros_hbm, acc.at[pl.ds(s * z_rows, z_rows)])
    pltpu.sync_copy(src_hbm.at[c, s], srcv)
    pltpu.sync_copy(dst_hbm.at[s], dstv)
    plsc.subcore_barrier()

    def chunk(j, carry):
      pltpu.async_copy(xs_hbm.at[srcv.at[j]], gbuf, sem).wait()
      pltpu.sync_copy(gbuf, acc.at[dstv.at[j]], add=True)
      return carry

    lax.fori_loop(0, n_chunks, chunk, 0, unroll=False)
    plsc.subcore_barrier()
    pltpu.sync_copy(acc.at[pl.ds(s * z_rows, z_rows)],
                    out_hbm.at[c, pl.ds(s * z_rows, z_rows)])

  return sc_agg


def _mlp1_body(x_ref, agg_ref, w1_ref, b1_ref, w2_ref, b2_ref, out_ref):
  hd = agg_ref.shape[2]
  xa = x_ref[...] + jnp.concatenate([agg_ref[0], agg_ref[1]], axis=1)
  h = jnp.dot(xa, w1_ref[...], preferred_element_type=jnp.float32) + b1_ref[...]
  h = jnp.maximum(h, 0.0)
  h = jnp.dot(h, w2_ref[...], preferred_element_type=jnp.float32) + b2_ref[...]
  h = jnp.maximum(h, 0.0)
  out_ref[0] = h[:, :hd]
  out_ref[1] = h[:, hd:]


def _mlp2_body(h_ref, agg_ref, w1_ref, b1_ref, w2_ref, b2_ref, bat_ref,
               fcw_ref, fcb_ref, out_ref, acc):
  i = pl.program_id(0)
  g = acc.shape[0]
  r = bat_ref.shape[2]
  xa = (jnp.concatenate([h_ref[0], h_ref[1]], axis=1)
        + jnp.concatenate([agg_ref[0], agg_ref[1]], axis=1))
  h = jnp.dot(xa, w1_ref[...], preferred_element_type=jnp.float32) + b1_ref[...]
  h = jnp.maximum(h, 0.0)
  h = jnp.dot(h, w2_ref[...], preferred_element_type=jnp.float32) + b2_ref[...]
  h = jnp.maximum(h, 0.0)
  seg = bat_ref[0, 0, :]
  mask = (seg[:, None] == lax.broadcasted_iota(jnp.int32, (r, g), 1)
          ).astype(jnp.float32)
  part = lax.dot_general(mask, h, (((0,), (0,)), ((), ())),
                         preferred_element_type=jnp.float32)

  @pl.when(i == 0)
  def _():
    acc[...] = part

  @pl.when(i > 0)
  def _():
    acc[...] += part

  @pl.when(i == pl.num_programs(0) - 1)
  def _():
    out_ref[...] = jnp.dot(acc[...], fcw_ref[...],
                           preferred_element_type=jnp.float32) + fcb_ref[...]


def kernel(x, edge_index, batch, w11, b11, w21, b21, w12, b12, w22, b22,
           fcw, fcb):
  n, d = x.shape
  hdim = w11.shape[1]
  out_dim = fcw.shape[1]
  g = 64
  hd = d // 2
  e = edge_index.shape[1]

  n_chunks = -(-e // (NS * K))
  e_pad = NS * n_chunks * K
  acc_rows = -(-(n + 1) // (NS * 8)) * (NS * 8)

  src = edge_index[0].astype(jnp.int32)
  dst = edge_index[1].astype(jnp.int32)
  pad = e_pad - e
  srcp = jnp.concatenate([src, jnp.zeros((pad,), jnp.int32)])
  dstp = jnp.concatenate([dst, jnp.full((pad,), n, jnp.int32)])
  src4 = jnp.stack([srcp, srcp + n]).reshape(NC, NS, n_chunks, K)
  dst3 = dstp.reshape(NS, n_chunks, K)
  zeros_blk = jnp.zeros((acc_rows // NS, hd), jnp.float32)

  sc_agg = _make_sc_agg(n, hd, n_chunks, acc_rows)

  xs = jnp.concatenate([x[:, :hd], x[:, hd:]], axis=0)

  agg1 = sc_agg(xs, src4, dst3, zeros_blk)

  r = 2000
  n_blocks = n // r
  b11r = b11.reshape(1, -1)
  b21r = b21.reshape(1, -1)
  b12r = b12.reshape(1, -1)
  b22r = b22.reshape(1, -1)
  fcbr = fcb.reshape(1, -1)

  half_spec = pl.BlockSpec((NC, r, hd), lambda i: (0, i, 0))
  wspec = pl.BlockSpec((d, hdim), lambda i: (0, 0))
  bspec = pl.BlockSpec((1, hdim), lambda i: (0, 0))

  h1 = pl.pallas_call(
      _mlp1_body,
      grid=(n_blocks,),
      in_specs=[
          pl.BlockSpec((r, d), lambda i: (i, 0)),
          half_spec,
          wspec, bspec, wspec, bspec,
      ],
      out_specs=half_spec,
      out_shape=jax.ShapeDtypeStruct((NC, n, hd), jnp.float32),
  )(x, agg1, w11, b11r, w21, b21r)

  agg2 = sc_agg(h1.reshape(NC * n, hd), src4, dst3, zeros_blk)

  bat3 = batch.astype(jnp.int32).reshape(n_blocks, 1, r)

  out = pl.pallas_call(
      _mlp2_body,
      grid=(n_blocks,),
      in_specs=[
          half_spec,
          half_spec,
          wspec, bspec, wspec, bspec,
          pl.BlockSpec((1, 1, r), lambda i: (i, 0, 0)),
          pl.BlockSpec((hdim, out_dim), lambda i: (0, 0)),
          pl.BlockSpec((1, out_dim), lambda i: (0, 0)),
      ],
      out_specs=pl.BlockSpec((g, out_dim), lambda i: (0, 0)),
      out_shape=jax.ShapeDtypeStruct((g, out_dim), jnp.float32),
      scratch_shapes=[pltpu.VMEM((g, hdim), jnp.float32)],
  )(h1, agg2, w12, b12r, w22, b22r, bat3, fcw, fcbr)

  return out

# --- scband reference (transcript-rebuilt; emitter-appended) ---
"""Pipeline reference for scband-gin-6880537608211 (READ-ONLY COPY).

The authoritative reference and input builder live on the scoring server;
editing this copy changes nothing except your own understanding.
"""

import jax, jax.numpy as jnp
import numpy as np

N = 10000
E = 160000
D = 256
H = 256
OUT = 128
G = 64

def setup_inputs(seed: int = 0) -> dict:
    key = jax.random.key(seed)
    ks = jax.random.split(key, 16)
    x = jax.random.normal(ks[0], (N, D), dtype=jnp.float32)
    edge_index = jax.random.randint(ks[1], (2, E), 0, N, dtype=jnp.int64)
    batch = jnp.sort(jax.random.randint(ks[2], (N,), 0, G, dtype=jnp.int64))
    def lin(k, fan_in, fan_out):
        bound = 1.0 / np.sqrt(fan_in)
        kw, kb = jax.random.split(k)
        w = jax.random.uniform(kw, (fan_in, fan_out), minval=-bound, maxval=bound, dtype=jnp.float32)
        b = jax.random.uniform(kb, (fan_out,), minval=-bound, maxval=bound, dtype=jnp.float32)
        return w, b
    w11, b11 = lin(ks[3], D, H)
    w21, b21 = lin(ks[4], H, H)
    w12, b12 = lin(ks[5], H, H)
    w22, b22 = lin(ks[6], H, H)
    fcw, fcb = lin(ks[7], H, OUT)
    return {"x": x, "edge_index": edge_index, "batch": batch,
            "w11": w11, "b11": b11, "w21": w21, "b21": b21,
            "w12": w12, "b12": b12, "w22": w22, "b22": b22,
            "fcw": fcw, "fcb": fcb}

def _gin_conv(x, src, dst, w1, b1, w2, b2, eps=0.0):
    # sum aggregation of neighbor messages (scatter-add at dst)
    agg = jnp.zeros_like(x).at[dst].add(x[src])
    h = (1.0 + eps) * x + agg
    h = h @ w1 + b1
    h = jax.nn.relu(h)
    h = h @ w2 + b2
    return h

def reference(x, edge_index, batch, w11, b11, w21, b21, w12, b12, w22, b22, fcw, fcb):
    src = edge_index[0]
    dst = edge_index[1]
    h = jax.nn.relu(_gin_conv(x, src, dst, w11, b11, w21, b21))
    h = jax.nn.relu(_gin_conv(h, src, dst, w12, b12, w22, b22))
    pooled = jax.ops.segment_sum(h, batch, num_segments=G)
    out = pooled @ fcw + fcb
    return out

if __name__ == "__main__":
    import jax
    _d = setup_inputs()
    print(jax.jit(kernel)(*tuple(_d.values())))

</pallas_src>

<mosaic_0001>
#map = affine_map<(d0, d1) -> (0, 0)>
#map1 = affine_map<(d0, d1) -> (0, 0, 0, 0)>
#map2 = affine_map<(d0, d1) -> (0, 0, 0)>
module attributes {stable_mosaic.version = 14 : i64} {
  func.func @sc_agg(%arg0: i32, %arg1: i32, %arg2: memref<20000x128xf32, #tpu.memory_space<hbm>>, %arg3: memref<2x16x79x128xi32, #tpu.memory_space<hbm>>, %arg4: memref<16x79x128xi32, #tpu.memory_space<hbm>>, %arg5: memref<632x128xf32, #tpu.memory_space<hbm>>, %arg6: memref<2x10112x128xf32, #tpu.memory_space<hbm>>, %arg7: memref<79x128xi32, #tpu.memory_space<vmem>>, %arg8: memref<79x128xi32, #tpu.memory_space<vmem>>, %arg9: memref<128x128xf32, #tpu.memory_space<vmem>>, %arg10: memref<!tpu.dma_semaphore, #tpu.memory_space<semaphore_mem>>, %arg11: memref<10112x128xf32, #tpu.memory_space<vmem_shared>>) attributes {dimension_semantics = [#tpu.dimension_semantics<core_parallel>, #tpu.dimension_semantics<subcore_parallel>], iteration_bounds = array<i64: 2, 16>, scalar_prefetch = 0 : i64, scratch_operands = 5 : i64, tpu.core_type = #tpu.core_type<sc_vector_subcore>, window_params = [{transform_indices = #map}, {transform_indices = #map1}, {transform_indices = #map2}, {transform_indices = #map}, {transform_indices = #map2}]} {
    %mul3A = arith.constant 632 : i32
    %mul3A_0 = arith.muli %arg1, %mul3A : i32
    "tpu.region"() ({
      %run_scoped3A = tpu.sem_alloc : memref<!tpu.dma_semaphore, #tpu.memory_space<semaphore_mem>>
      %dma_start3A = arith.constant 0 : i32
      %dma_start3A_11 = tpu.memref_slice %arg11[%mul3A_0, %dma_start3A] : memref<10112x128xf32, #tpu.memory_space<vmem_shared>> -> memref<632x128xf32, #tpu.memory_space<vmem_shared>>
      tpu.enqueue_dma source(%arg5 : memref<632x128xf32, #tpu.memory_space<hbm>>) target(%dma_start3A_11 : memref<632x128xf32, #tpu.memory_space<vmem_shared>>) target_semaphore(%run_scoped3A : memref<!tpu.dma_semaphore, #tpu.memory_space<semaphore_mem>>)
      %dma_wait3A = arith.constant 0 : i32
      %dma_wait3A_12 = tpu.memref_slice %arg11[%mul3A_0, %dma_wait3A] : memref<10112x128xf32, #tpu.memory_space<vmem_shared>> -> memref<632x128xf32, #tpu.memory_space<vmem_shared>>
      tpu.wait_dma2 semaphore(%run_scoped3A : memref<!tpu.dma_semaphore, #tpu.memory_space<semaphore_mem>>) src(%arg5 : memref<632x128xf32, #tpu.memory_space<hbm>>) dst(%dma_wait3A_12 : memref<632x128xf32, #tpu.memory_space<vmem_shared>>)
      tpu.yield
    }) : () -> ()
    "tpu.region"() ({
      %run_scoped3A = tpu.sem_alloc : memref<!tpu.dma_semaphore, #tpu.memory_space<semaphore_mem>>
      %dma_start3A = arith.constant 0 : i32
      %dma_start3A_11 = arith.constant 0 : i32
      %dma_start3A_12 = tpu.memref_slice %arg3[%arg0, %arg1, %dma_start3A, %dma_start3A_11] : memref<2x16x79x128xi32, #tpu.memory_space<hbm>> -> memref<1x1x79x128xi32, #tpu.memory_space<hbm>>
      %dma_start3A_13 = tpu.memref_squeeze %dma_start3A_12 : memref<1x1x79x128xi32, #tpu.memory_space<hbm>> -> memref<79x128xi32, #tpu.memory_space<hbm>>
      %dma_start3A_14 = arith.constant 0 : i32
      %dma_start3A_15 = arith.constant 0 : i32
      %dma_start3A_16 = tpu.memref_slice %arg3[%arg0, %arg1, %dma_start3A_14, %dma_start3A_15] : memref<2x16x79x128xi32, #tpu.memory_space<hbm>> -> memref<1x1x79x128xi32, #tpu.memory_space<hbm>>
      %dma_start3A_17 = tpu.memref_squeeze %dma_start3A_16 : memref<1x1x79x128xi32, #tpu.memory_space<hbm>> -> memref<79x128xi32, #tpu.memory_space<hbm>>
      tpu.enqueue_dma source(%dma_start3A_17 : memref<79x128xi32, #tpu.memory_space<hbm>>) target(%arg7 : memref<79x128xi32, #tpu.memory_space<vmem>>) target_semaphore(%run_scoped3A : memref<!tpu.dma_semaphore, #tpu.memory_space<semaphore_mem>>)
      %dma_wait3A = arith.constant 0 : i32
      %dma_wait3A_18 = arith.constant 0 : i32
      %dma_wait3A_19 = tpu.memref_slice %arg3[%arg0, %arg1, %dma_wait3A, %dma_wait3A_18] : memref<2x16x79x128xi32, #tpu.memory_space<hbm>> -> memref<1x1x79x128xi32, #tpu.memory_space<hbm>>
      %dma_wait3A_20 = tpu.memref_squeeze %dma_wait3A_19 : memref<1x1x79x128xi32, #tpu.memory_space<hbm>> -> memref<79x128xi32, #tpu.memory_space<hbm>>
      %dma_wait3A_21 = arith.constant 0 : i32
      %dma_wait3A_22 = arith.constant 0 : i32
      %dma_wait3A_23 = tpu.memref_slice %arg3[%arg0, %arg1, %dma_wait3A_21, %dma_wait3A_22] : memref<2x16x79x128xi32, #tpu.memory_space<hbm>> -> memref<1x1x79x128xi32, #tpu.memory_space<hbm>>
      %dma_wait3A_24 = tpu.memref_squeeze %dma_wait3A_23 : memref<1x1x79x128xi32, #tpu.memory_space<hbm>> -> memref<79x128xi32, #tpu.memory_space<hbm>>
      tpu.wait_dma2 semaphore(%run_scoped3A : memref<!tpu.dma_semaphore, #tpu.memory_space<semaphore_mem>>) src(%dma_wait3A_24 : memref<79x128xi32, #tpu.memory_space<hbm>>) dst(%arg7 : memref<79x128xi32, #tpu.memory_space<vmem>>)
      tpu.yield
    }) : () -> ()
    "tpu.region"() ({
      %run_scoped3A = tpu.sem_alloc : memref<!tpu.dma_semaphore, #tpu.memory_space<semaphore_mem>>
      %dma_start3A = arith.constant 0 : i32
      %dma_start3A_11 = arith.constant 0 : i32
      %dma_start3A_12 = tpu.memref_slice %arg4[%arg1, %dma_start3A, %dma_start3A_11] : memref<16x79x128xi32, #tpu.memory_space<hbm>> -> memref<1x79x128xi32, #tpu.memory_space<hbm>>
      %dma_start3A_13 = tpu.memref_squeeze %dma_start3A_12 : memref<1x79x128xi32, #tpu.memory_space<hbm>> -> memref<79x128xi32, #tpu.memory_space<hbm>>
      %dma_start3A_14 = arith.constant 0 : i32
      %dma_start3A_15 = arith.constant 0 : i32
      %dma_start3A_16 = tpu.memref_slice %arg4[%arg1, %dma_start3A_14, %dma_start3A_15] : memref<16x79x128xi32, #tpu.memory_space<hbm>> -> memref<1x79x128xi32, #tpu.memory_space<hbm>>
      %dma_start3A_17 = tpu.memref_squeeze %dma_start3A_16 : memref<1x79x128xi32, #tpu.memory_space<hbm>> -> memref<79x128xi32, #tpu.memory_space<hbm>>
      tpu.enqueue_dma source(%dma_start3A_17 : memref<79x128xi32, #tpu.memory_space<hbm>>) target(%arg8 : memref<79x128xi32, #tpu.memory_space<vmem>>) target_semaphore(%run_scoped3A : memref<!tpu.dma_semaphore, #tpu.memory_space<semaphore_mem>>)
      %dma_wait3A = arith.constant 0 : i32
      %dma_wait3A_18 = arith.constant 0 : i32
      %dma_wait3A_19 = tpu.memref_slice %arg4[%arg1, %dma_wait3A, %dma_wait3A_18] : memref<16x79x128xi32, #tpu.memory_space<hbm>> -> memref<1x79x128xi32, #tpu.memory_space<hbm>>
      %dma_wait3A_20 = tpu.memref_squeeze %dma_wait3A_19 : memref<1x79x128xi32, #tpu.memory_space<hbm>> -> memref<79x128xi32, #tpu.memory_space<hbm>>
      %dma_wait3A_21 = arith.constant 0 : i32
      %dma_wait3A_22 = arith.constant 0 : i32
      %dma_wait3A_23 = tpu.memref_slice %arg4[%arg1, %dma_wait3A_21, %dma_wait3A_22] : memref<16x79x128xi32, #tpu.memory_space<hbm>> -> memref<1x79x128xi32, #tpu.memory_space<hbm>>
      %dma_wait3A_24 = tpu.memref_squeeze %dma_wait3A_23 : memref<1x79x128xi32, #tpu.memory_space<hbm>> -> memref<79x128xi32, #tpu.memory_space<hbm>>
      tpu.wait_dma2 semaphore(%run_scoped3A : memref<!tpu.dma_semaphore, #tpu.memory_space<semaphore_mem>>) src(%dma_wait3A_24 : memref<79x128xi32, #tpu.memory_space<hbm>>) dst(%arg8 : memref<79x128xi32, #tpu.memory_space<vmem>>)
      tpu.yield
    }) : () -> ()
    %barrier3A = arith.constant 0 : index
    tpu.barrier barrier_id(%barrier3A)
    %scan3A = arith.constant 0 : i32
    %scan3A_1 = arith.constant 0 : i32
    %scan3A_2 = arith.constant 79 : i32
    %scan3A_3 = arith.addi %scan3A_1, %scan3A_2 : i32
    %scan3A_4 = arith.constant 1 : i32
    scf.for %scan3A_11 = %scan3A_1 to %scan3A_3 step %scan3A_4  : i32 {
      %dma_start3A = arith.constant 0 : i32
      %dma_start3A_12 = tpu.memref_slice %arg7[%scan3A_11, %dma_start3A] : memref<79x128xi32, #tpu.memory_space<vmem>> -> memref<1x128xi32, #tpu.memory_space<vmem>>
      %dma_start3A_13 = tpu.memref_squeeze %dma_start3A_12 : memref<1x128xi32, #tpu.memory_space<vmem>> -> memref<128xi32, #tpu.memory_space<vmem>>
      %dma_start3A_14 = arith.constant 0 : i32
      %dma_start3A_15 = arith.constant 0 : i32
      %dma_start3A_16 = tpu.memref_slice %arg2[%dma_start3A_14, %dma_start3A_15] : memref<20000x128xf32, #tpu.memory_space<hbm>> -> memref<20000x128xf32, #tpu.memory_space<hbm>>
      tpu.enqueue_indirect_dma source(%dma_start3A_16 : memref<20000x128xf32, #tpu.memory_space<hbm>>) target(%arg9 : memref<128x128xf32, #tpu.memory_space<vmem>>) offsets(%dma_start3A_13 : memref<128xi32, #tpu.memory_space<vmem>>) semaphore(%arg10 : memref<!tpu.dma_semaphore, #tpu.memory_space<semaphore_mem>>)
      %dma_wait3A = arith.constant 0 : i32
      %dma_wait3A_17 = tpu.memref_slice %arg7[%scan3A_11, %dma_wait3A] : memref<79x128xi32, #tpu.memory_space<vmem>> -> memref<1x128xi32, #tpu.memory_space<vmem>>
      %dma_wait3A_18 = tpu.memref_squeeze %dma_wait3A_17 : memref<1x128xi32, #tpu.memory_space<vmem>> -> memref<128xi32, #tpu.memory_space<vmem>>
      %dma_wait3A_19 = arith.constant 0 : i32
      %dma_wait3A_20 = arith.constant 0 : i32
      %dma_wait3A_21 = tpu.memref_slice %arg2[%dma_wait3A_19, %dma_wait3A_20] : memref<20000x128xf32, #tpu.memory_space<hbm>> -> memref<20000x128xf32, #tpu.memory_space<hbm>>
      tpu.wait_indirect_dma semaphore(%arg10 : memref<!tpu.dma_semaphore, #tpu.memory_space<semaphore_mem>>) src(%dma_wait3A_21 : memref<20000x128xf32, #tpu.memory_space<hbm>>) dst(%arg9 : memref<128x128xf32, #tpu.memory_space<vmem>>)
      "tpu.region"() ({
        %run_scoped3A = tpu.sem_alloc : memref<!tpu.dma_semaphore, #tpu.memory_space<semaphore_mem>>
        %dma_start3A_22 = arith.constant 0 : i32
        %dma_start3A_23 = tpu.memref_slice %arg8[%scan3A_11, %dma_start3A_22] : memref<79x128xi32, #tpu.memory_space<vmem>> -> memref<1x128xi32, #tpu.memory_space<vmem>>
        %dma_start3A_24 = tpu.memref_squeeze %dma_start3A_23 : memref<1x128xi32, #tpu.memory_space<vmem>> -> memref<128xi32, #tpu.memory_space<vmem>>
        %dma_start3A_25 = arith.constant 0 : i32
        %dma_start3A_26 = arith.constant 0 : i32
        %dma_start3A_27 = tpu.memref_slice %arg11[%dma_start3A_25, %dma_start3A_26] : memref<10112x128xf32, #tpu.memory_space<vmem_shared>> -> memref<10112x128xf32, #tpu.memory_space<vmem_shared>>
        tpu.enqueue_indirect_dma source(%arg9 : memref<128x128xf32, #tpu.memory_space<vmem>>) target(%dma_start3A_27 : memref<10112x128xf32, #tpu.memory_space<vmem_shared>>) offsets(%dma_start3A_24 : memref<128xi32, #tpu.memory_space<vmem>>) semaphore(%run_scoped3A : memref<!tpu.dma_semaphore, #tpu.memory_space<semaphore_mem>>) {add = true}
        %dma_wait3A_28 = arith.constant 0 : i32
        %dma_wait3A_29 = tpu.memref_slice %arg8[%scan3A_11, %dma_wait3A_28] : memref<79x128xi32, #tpu.memory_space<vmem>> -> memref<1x128xi32, #tpu.memory_space<vmem>>
        %dma_wait3A_30 = tpu.memref_squeeze %dma_wait3A_29 : memref<1x128xi32, #tpu.memory_space<vmem>> -> memref<128xi32, #tpu.memory_space<vmem>>
        %dma_wait3A_31 = arith.constant 0 : i32
        %dma_wait3A_32 = arith.constant 0 : i32
        %dma_wait3A_33 = tpu.memref_slice %arg11[%dma_wait3A_31, %dma_wait3A_32] : memref<10112x128xf32, #tpu.memory_space<vmem_shared>> -> memref<10112x128xf32, #tpu.memory_space<vmem_shared>>
        tpu.wait_indirect_dma semaphore(%run_scoped3A : memref<!tpu.dma_semaphore, #tpu.memory_space<semaphore_mem>>) src(%arg9 : memref<128x128xf32, #tpu.memory_space<vmem>>) dst(%dma_wait3A_33 : memref<10112x128xf32, #tpu.memory_space<vmem_shared>>)
        tpu.yield
      }) : () -> ()
    }
    %scan3A_5 = arith.constant 79 : i32
    %barrier3A_6 = arith.constant 0 : index
    tpu.barrier barrier_id(%barrier3A_6)
    %mul3A_7 = arith.constant 632 : i32
    %mul3A_8 = arith.muli %arg1, %mul3A_7 : i32
    %mul3A_9 = arith.constant 632 : i32
    %mul3A_10 = arith.muli %arg1, %mul3A_9 : i32
    "tpu.region"() ({
      %run_scoped3A = tpu.sem_alloc : memref<!tpu.dma_semaphore, #tpu.memory_space<semaphore_mem>>
      %dma_start3A = arith.constant 0 : i32
      %dma_start3A_11 = tpu.memref_slice %arg6[%arg0, %mul3A_10, %dma_start3A] : memref<2x10112x128xf32, #tpu.memory_space<hbm>> -> memref<1x632x128xf32, #tpu.memory_space<hbm>>
      %dma_start3A_12 = tpu.memref_squeeze %dma_start3A_11 : memref<1x632x128xf32, #tpu.memory_space<hbm>> -> memref<632x128xf32, #tpu.memory_space<hbm>>
      %dma_start3A_13 = arith.constant 0 : i32
      %dma_start3A_14 = tpu.memref_slice %arg11[%mul3A_8, %dma_start3A_13] : memref<10112x128xf32, #tpu.memory_space<vmem_shared>> -> memref<632x128xf32, #tpu.memory_space<vmem_shared>>
      tpu.enqueue_dma source(%dma_start3A_14 : memref<632x128xf32, #tpu.memory_space<vmem_shared>>) target(%dma_start3A_12 : memref<632x128xf32, #tpu.memory_space<hbm>>) target_semaphore(%run_scoped3A : memref<!tpu.dma_semaphore, #tpu.memory_space<semaphore_mem>>)
      %dma_wait3A = arith.constant 0 : i32
      %dma_wait3A_15 = tpu.memref_slice %arg6[%arg0, %mul3A_10, %dma_wait3A] : memref<2x10112x128xf32, #tpu.memory_space<hbm>> -> memref<1x632x128xf32, #tpu.memory_space<hbm>>
      %dma_wait3A_16 = tpu.memref_squeeze %dma_wait3A_15 : memref<1x632x128xf32, #tpu.memory_space<hbm>> -> memref<632x128xf32, #tpu.memory_space<hbm>>
      %dma_wait3A_17 = arith.constant 0 : i32
      %dma_wait3A_18 = tpu.memref_slice %arg11[%mul3A_8, %dma_wait3A_17] : memref<10112x128xf32, #tpu.memory_space<vmem_shared>> -> memref<632x128xf32, #tpu.memory_space<vmem_shared>>
      tpu.wait_dma2 semaphore(%run_scoped3A : memref<!tpu.dma_semaphore, #tpu.memory_space<semaphore_mem>>) src(%dma_wait3A_18 : memref<632x128xf32, #tpu.memory_space<vmem_shared>>) dst(%dma_wait3A_16 : memref<632x128xf32, #tpu.memory_space<hbm>>)
      tpu.yield
    }) : () -> ()
    return
  }
}

#map = affine_map<(d0, d1) -> (0, 0)>
#map1 = affine_map<(d0, d1) -> (0, 0, 0, 0)>
#map2 = affine_map<(d0, d1) -> (0, 0, 0)>
module attributes {stable_mosaic.version = 14 : i64} {
  func.func @sc_agg(%arg0: i32, %arg1: i32, %arg2: memref<20000x128xf32, #tpu.memory_space<hbm>>, %arg3: memref<2x16x79x128xi32, #tpu.memory_space<hbm>>, %arg4: memref<16x79x128xi32, #tpu.memory_space<hbm>>, %arg5: memref<632x128xf32, #tpu.memory_space<hbm>>, %arg6: memref<2x10112x128xf32, #tpu.memory_space<hbm>>, %arg7: memref<79x128xi32, #tpu.memory_space<vmem>>, %arg8: memref<79x128xi32, #tpu.memory_space<vmem>>, %arg9: memref<128x128xf32, #tpu.memory_space<vmem>>, %arg10: memref<!tpu.dma_semaphore, #tpu.memory_space<semaphore_mem>>, %arg11: memref<10112x128xf32, #tpu.memory_space<vmem_shared>>) attributes {dimension_semantics = [#tpu.dimension_semantics<core_parallel>, #tpu.dimension_semantics<subcore_parallel>], iteration_bounds = array<i64: 2, 16>, scalar_prefetch = 0 : i64, scratch_operands = 5 : i64, tpu.core_type = #tpu.core_type<sc_vector_subcore>, window_params = [{transform_indices = #map}, {transform_indices = #map1}, {transform_indices = #map2}, {transform_indices = #map}, {transform_indices = #map2}]} {
    %mul3A = arith.constant 632 : i32
    %mul3A_0 = arith.muli %arg1, %mul3A : i32
    "tpu.region"() ({
      %run_scoped3A = tpu.sem_alloc : memref<!tpu.dma_semaphore, #tpu.memory_space<semaphore_mem>>
      %dma_start3A = arith.constant 0 : i32
      %dma_start3A_11 = tpu.memref_slice %arg11[%mul3A_0, %dma_start3A] : memref<10112x128xf32, #tpu.memory_space<vmem_shared>> -> memref<632x128xf32, #tpu.memory_space<vmem_shared>>
      tpu.enqueue_dma source(%arg5 : memref<632x128xf32, #tpu.memory_space<hbm>>) target(%dma_start3A_11 : memref<632x128xf32, #tpu.memory_space<vmem_shared>>) target_semaphore(%run_scoped3A : memref<!tpu.dma_semaphore, #tpu.memory_space<semaphore_mem>>)
      %dma_wait3A = arith.constant 0 : i32
      %dma_wait3A_12 = tpu.memref_slice %arg11[%mul3A_0, %dma_wait3A] : memref<10112x128xf32, #tpu.memory_space<vmem_shared>> -> memref<632x128xf32, #tpu.memory_space<vmem_shared>>
      tpu.wait_dma2 semaphore(%run_scoped3A : memref<!tpu.dma_semaphore, #tpu.memory_space<semaphore_mem>>) src(%arg5 : memref<632x128xf32, #tpu.memory_space<hbm>>) dst(%dma_wait3A_12 : memref<632x128xf32, #tpu.memory_space<vmem_shared>>)
      tpu.yield
    }) : () -> ()
    "tpu.region"() ({
      %run_scoped3A = tpu.sem_alloc : memref<!tpu.dma_semaphore, #tpu.memory_space<semaphore_mem>>
      %dma_start3A = arith.constant 0 : i32
      %dma_start3A_11 = arith.constant 0 : i32
      %dma_start3A_12 = tpu.memref_slice %arg3[%arg0, %arg1, %dma_start3A, %dma_start3A_11] : memref<2x16x79x128xi32, #tpu.memory_space<hbm>> -> memref<1x1x79x128xi32, #tpu.memory_space<hbm>>
      %dma_start3A_13 = tpu.memref_squeeze %dma_start3A_12 : memref<1x1x79x128xi32, #tpu.memory_space<hbm>> -> memref<79x128xi32, #tpu.memory_space<hbm>>
      %dma_start3A_14 = arith.constant 0 : i32
      %dma_start3A_15 = arith.constant 0 : i32
      %dma_start3A_16 = tpu.memref_slice %arg3[%arg0, %arg1, %dma_start3A_14, %dma_start3A_15] : memref<2x16x79x128xi32, #tpu.memory_space<hbm>> -> memref<1x1x79x128xi32, #tpu.memory_space<hbm>>
      %dma_start3A_17 = tpu.memref_squeeze %dma_start3A_16 : memref<1x1x79x128xi32, #tpu.memory_space<hbm>> -> memref<79x128xi32, #tpu.memory_space<hbm>>
      tpu.enqueue_dma source(%dma_start3A_17 : memref<79x128xi32, #tpu.memory_space<hbm>>) target(%arg7 : memref<79x128xi32, #tpu.memory_space<vmem>>) target_semaphore(%run_scoped3A : memref<!tpu.dma_semaphore, #tpu.memory_space<semaphore_mem>>)
      %dma_wait3A = arith.constant 0 : i32
      %dma_wait3A_18 = arith.constant 0 : i32
      %dma_wait3A_19 = tpu.memref_slice %arg3[%arg0, %arg1, %dma_wait3A, %dma_wait3A_18] : memref<2x16x79x128xi32, #tpu.memory_space<hbm>> -> memref<1x1x79x128xi32, #tpu.memory_space<hbm>>
      %dma_wait3A_20 = tpu.memref_squeeze %dma_wait3A_19 : memref<1x1x79x128xi32, #tpu.memory_space<hbm>> -> memref<79x128xi32, #tpu.memory_space<hbm>>
      %dma_wait3A_21 = arith.constant 0 : i32
      %dma_wait3A_22 = arith.constant 0 : i32
      %dma_wait3A_23 = tpu.memref_slice %arg3[%arg0, %arg1, %dma_wait3A_21, %dma_wait3A_22] : memref<2x16x79x128xi32, #tpu.memory_space<hbm>> -> memref<1x1x79x128xi32, #tpu.memory_space<hbm>>
      %dma_wait3A_24 = tpu.memref_squeeze %dma_wait3A_23 : memref<1x1x79x128xi32, #tpu.memory_space<hbm>> -> memref<79x128xi32, #tpu.memory_space<hbm>>
      tpu.wait_dma2 semaphore(%run_scoped3A : memref<!tpu.dma_semaphore, #tpu.memory_space<semaphore_mem>>) src(%dma_wait3A_24 : memref<79x128xi32, #tpu.memory_space<hbm>>) dst(%arg7 : memref<79x128xi32, #tpu.memory_space<vmem>>)
      tpu.yield
    }) : () -> ()
    "tpu.region"() ({
      %run_scoped3A = tpu.sem_alloc : memref<!tpu.dma_semaphore, #tpu.memory_space<semaphore_mem>>
      %dma_start3A = arith.constant 0 : i32
      %dma_start3A_11 = arith.constant 0 : i32
      %dma_start3A_12 = tpu.memref_slice %arg4[%arg1, %dma_start3A, %dma_start3A_11] : memref<16x79x128xi32, #tpu.memory_space<hbm>> -> memref<1x79x128xi32, #tpu.memory_space<hbm>>
      %dma_start3A_13 = tpu.memref_squeeze %dma_start3A_12 : memref<1x79x128xi32, #tpu.memory_space<hbm>> -> memref<79x128xi32, #tpu.memory_space<hbm>>
      %dma_start3A_14 = arith.constant 0 : i32
      %dma_start3A_15 = arith.constant 0 : i32
      %dma_start3A_16 = tpu.memref_slice %arg4[%arg1, %dma_start3A_14, %dma_start3A_15] : memref<16x79x128xi32, #tpu.memory_space<hbm>> -> memref<1x79x128xi32, #tpu.memory_space<hbm>>
      %dma_start3A_17 = tpu.memref_squeeze %dma_start3A_16 : memref<1x79x128xi32, #tpu.memory_space<hbm>> -> memref<79x128xi32, #tpu.memory_space<hbm>>
      tpu.enqueue_dma source(%dma_start3A_17 : memref<79x128xi32, #tpu.memory_space<hbm>>) target(%arg8 : memref<79x128xi32, #tpu.memory_space<vmem>>) target_semaphore(%run_scoped3A : memref<!tpu.dma_semaphore, #tpu.memory_space<semaphore_mem>>)
      %dma_wait3A = arith.constant 0 : i32
      %dma_wait3A_18 = arith.constant 0 : i32
      %dma_wait3A_19 = tpu.memref_slice %arg4[%arg1, %dma_wait3A, %dma_wait3A_18] : memref<16x79x128xi32, #tpu.memory_space<hbm>> -> memref<1x79x128xi32, #tpu.memory_space<hbm>>
      %dma_wait3A_20 = tpu.memref_squeeze %dma_wait3A_19 : memref<1x79x128xi32, #tpu.memory_space<hbm>> -> memref<79x128xi32, #tpu.memory_space<hbm>>
      %dma_wait3A_21 = arith.constant 0 : i32
      %dma_wait3A_22 = arith.constant 0 : i32
      %dma_wait3A_23 = tpu.memref_slice %arg4[%arg1, %dma_wait3A_21, %dma_wait3A_22] : memref<16x79x128xi32, #tpu.memory_space<hbm>> -> memref<1x79x128xi32, #tpu.memory_space<hbm>>
      %dma_wait3A_24 = tpu.memref_squeeze %dma_wait3A_23 : memref<1x79x128xi32, #tpu.memory_space<hbm>> -> memref<79x128xi32, #tpu.memory_space<hbm>>
      tpu.wait_dma2 semaphore(%run_scoped3A : memref<!tpu.dma_semaphore, #tpu.memory_space<semaphore_mem>>) src(%dma_wait3A_24 : memref<79x128xi32, #tpu.memory_space<hbm>>) dst(%arg8 : memref<79x128xi32, #tpu.memory_space<vmem>>)
      tpu.yield
    }) : () -> ()
    %barrier3A = arith.constant 0 : index
    tpu.barrier barrier_id(%barrier3A)
    %scan3A = arith.constant 0 : i32
    %scan3A_1 = arith.constant 0 : i32
    %scan3A_2 = arith.constant 79 : i32
    %scan3A_3 = arith.addi %scan3A_1, %scan3A_2 : i32
    %scan3A_4 = arith.constant 1 : i32
    scf.for %scan3A_11 = %scan3A_1 to %scan3A_3 step %scan3A_4  : i32 {
      %dma_start3A = arith.constant 0 : i32
      %dma_start3A_12 = tpu.memref_slice %arg7[%scan3A_11, %dma_start3A] : memref<79x128xi32, #tpu.memory_space<vmem>> -> memref<1x128xi32, #tpu.memory_space<vmem>>
      %dma_start3A_13 = tpu.memref_squeeze %dma_start3A_12 : memref<1x128xi32, #tpu.memory_space<vmem>> -> memref<128xi32, #tpu.memory_space<vmem>>
      %dma_start3A_14 = arith.constant 0 : i32
      %dma_start3A_15 = arith.constant 0 : i32
      %dma_start3A_16 = tpu.memref_slice %arg2[%dma_start3A_14, %dma_start3A_15] : memref<20000x128xf32, #tpu.memory_space<hbm>> -> memref<20000x128xf32, #tpu.memory_space<hbm>>
      tpu.enqueue_indirect_dma source(%dma_start3A_16 : memref<20000x128xf32, #tpu.memory_space<hbm>>) target(%arg9 : memref<128x128xf32, #tpu.memory_space<vmem>>) offsets(%dma_start3A_13 : memref<128xi32, #tpu.memory_space<vmem>>) semaphore(%arg10 : memref<!tpu.dma_semaphore, #tpu.memory_space<semaphore_mem>>)
      %dma_wait3A = arith.constant 0 : i32
      %dma_wait3A_17 = tpu.memref_slice %arg7[%scan3A_11, %dma_wait3A] : memref<79x128xi32, #tpu.memory_space<vmem>> -> memref<1x128xi32, #tpu.memory_space<vmem>>
      %dma_wait3A_18 = tpu.memref_squeeze %dma_wait3A_17 : memref<1x128xi32, #tpu.memory_space<vmem>> -> memref<128xi32, #tpu.memory_space<vmem>>
      %dma_wait3A_19 = arith.constant 0 : i32
      %dma_wait3A_20 = arith.constant 0 : i32
      %dma_wait3A_21 = tpu.memref_slice %arg2[%dma_wait3A_19, %dma_wait3A_20] : memref<20000x128xf32, #tpu.memory_space<hbm>> -> memref<20000x128xf32, #tpu.memory_space<hbm>>
      tpu.wait_indirect_dma semaphore(%arg10 : memref<!tpu.dma_semaphore, #tpu.memory_space<semaphore_mem>>) src(%dma_wait3A_21 : memref<20000x128xf32, #tpu.memory_space<hbm>>) dst(%arg9 : memref<128x128xf32, #tpu.memory_space<vmem>>)
      "tpu.region"() ({
        %run_scoped3A = tpu.sem_alloc : memref<!tpu.dma_semaphore, #tpu.memory_space<semaphore_mem>>
        %dma_start3A_22 = arith.constant 0 : i32
        %dma_start3A_23 = tpu.memref_slice %arg8[%scan3A_11, %dma_start3A_22] : memref<79x128xi32, #tpu.memory_space<vmem>> -> memref<1x128xi32, #tpu.memory_space<vmem>>
        %dma_start3A_24 = tpu.memref_squeeze %dma_start3A_23 : memref<1x128xi32, #tpu.memory_space<vmem>> -> memref<128xi32, #tpu.memory_space<vmem>>
        %dma_start3A_25 = arith.constant 0 : i32
        %dma_start3A_26 = arith.constant 0 : i32
        %dma_start3A_27 = tpu.memref_slice %arg11[%dma_start3A_25, %dma_start3A_26] : memref<10112x128xf32, #tpu.memory_space<vmem_shared>> -> memref<10112x128xf32, #tpu.memory_space<vmem_shared>>
        tpu.enqueue_indirect_dma source(%arg9 : memref<128x128xf32, #tpu.memory_space<vmem>>) target(%dma_start3A_27 : memref<10112x128xf32, #tpu.memory_space<vmem_shared>>) offsets(%dma_start3A_24 : memref<128xi32, #tpu.memory_space<vmem>>) semaphore(%run_scoped3A : memref<!tpu.dma_semaphore, #tpu.memory_space<semaphore_mem>>) {add = true}
        %dma_wait3A_28 = arith.constant 0 : i32
        %dma_wait3A_29 = tpu.memref_slice %arg8[%scan3A_11, %dma_wait3A_28] : memref<79x128xi32, #tpu.memory_space<vmem>> -> memref<1x128xi32, #tpu.memory_space<vmem>>
        %dma_wait3A_30 = tpu.memref_squeeze %dma_wait3A_29 : memref<1x128xi32, #tpu.memory_space<vmem>> -> memref<128xi32, #tpu.memory_space<vmem>>
        %dma_wait3A_31 = arith.constant 0 : i32
        %dma_wait3A_32 = arith.constant 0 : i32
        %dma_wait3A_33 = tpu.memref_slice %arg11[%dma_wait3A_31, %dma_wait3A_32] : memref<10112x128xf32, #tpu.memory_space<vmem_shared>> -> memref<10112x128xf32, #tpu.memory_space<vmem_shared>>
        tpu.wait_indirect_dma semaphore(%run_scoped3A : memref<!tpu.dma_semaphore, #tpu.memory_space<semaphore_mem>>) src(%arg9 : memref<128x128xf32, #tpu.memory_space<vmem>>) dst(%dma_wait3A_33 : memref<10112x128xf32, #tpu.memory_space<vmem_shared>>)
        tpu.yield
      }) : () -> ()
    }
    %scan3A_5 = arith.constant 79 : i32
    %barrier3A_6 = arith.constant 0 : index
    tpu.barrier barrier_id(%barrier3A_6)
    %mul3A_7 = arith.constant 632 : i32
    %mul3A_8 = arith.muli %arg1, %mul3A_7 : i32
    %mul3A_9 = arith.constant 632 : i32
    %mul3A_10 = arith.muli %arg1, %mul3A_9 : i32
    "tpu.region"() ({
      %run_scoped3A = tpu.sem_alloc : memref<!tpu.dma_semaphore, #tpu.memory_space<semaphore_mem>>
      %dma_start3A = arith.constant 0 : i32
      %dma_start3A_11 = tpu.memref_slice %arg6[%arg0, %mul3A_10, %dma_start3A] : memref<2x10112x128xf32, #tpu.memory_space<hbm>> -> memref<1x632x128xf32, #tpu.memory_space<hbm>>
      %dma_start3A_12 = tpu.memref_squeeze %dma_start3A_11 : memref<1x632x128xf32, #tpu.memory_space<hbm>> -> memref<632x128xf32, #tpu.memory_space<hbm>>
      %dma_start3A_13 = arith.constant 0 : i32
      %dma_start3A_14 = tpu.memref_slice %arg11[%mul3A_8, %dma_start3A_13] : memref<10112x128xf32, #tpu.memory_space<vmem_shared>> -> memref<632x128xf32, #tpu.memory_space<vmem_shared>>
      tpu.enqueue_dma source(%dma_start3A_14 : memref<632x128xf32, #tpu.memory_space<vmem_shared>>) target(%dma_start3A_12 : memref<632x128xf32, #tpu.memory_space<hbm>>) target_semaphore(%run_scoped3A : memref<!tpu.dma_semaphore, #tpu.memory_space<semaphore_mem>>)
      %dma_wait3A = arith.constant 0 : i32
      %dma_wait3A_15 = tpu.memref_slice %arg6[%arg0, %mul3A_10, %dma_wait3A] : memref<2x10112x128xf32, #tpu.memory_space<hbm>> -> memref<1x632x128xf32, #tpu.memory_space<hbm>>
      %dma_wait3A_16 = tpu.memref_squeeze %dma_wait3A_15 : memref<1x632x128xf32, #tpu.memory_space<hbm>> -> memref<632x128xf32, #tpu.memory_space<hbm>>
      %dma_wait3A_17 = arith.constant 0 : i32
      %dma_wait3A_18 = tpu.memref_slice %arg11[%mul3A_8, %dma_wait3A_17] : memref<10112x128xf32, #tpu.memory_space<vmem_shared>> -> memref<632x128xf32, #tpu.memory_space<vmem_shared>>
      tpu.wait_dma2 semaphore(%run_scoped3A : memref<!tpu.dma_semaphore, #tpu.memory_space<semaphore_mem>>) src(%dma_wait3A_18 : memref<632x128xf32, #tpu.memory_space<vmem_shared>>) dst(%dma_wait3A_16 : memref<632x128xf32, #tpu.memory_space<hbm>>)
      tpu.yield
    }) : () -> ()
    return
  }
}

module attributes {stable_mosaic.version = 14 : i64} {
  func.func @_mlp1_body(%arg0: i32, %arg1: memref<2000x256xf32, #tpu.memory_space<vmem>>, %arg2: memref<2x2000x128xf32, #tpu.memory_space<vmem>>, %arg3: memref<256x256xf32, #tpu.memory_space<vmem>>, %arg4: memref<1x256xf32, #tpu.memory_space<vmem>>, %arg5: memref<256x256xf32, #tpu.memory_space<vmem>>, %arg6: memref<1x256xf32, #tpu.memory_space<vmem>>, %arg7: memref<2x2000x128xf32, #tpu.memory_space<vmem>>) attributes {dimension_semantics = [#tpu.dimension_semantics<arbitrary>], iteration_bounds = array<i64: 5>, scalar_prefetch = 0 : i64, scratch_operands = 0 : i64, tpu.core_type = #tpu.core_type<tc>, window_params = [{transform_indices = @transform_0, window_bounds = array<i64: 2000, 256>}, {transform_indices = @transform_1, window_bounds = array<i64: 2, 2000, 128>}, {pipeline_mode = #tpu.pipeline_mode<synchronous>, transform_indices = @transform_2, window_bounds = array<i64: 256, 256>}, {pipeline_mode = #tpu.pipeline_mode<synchronous>, transform_indices = @transform_3, window_bounds = array<i64: 1, 256>}, {pipeline_mode = #tpu.pipeline_mode<synchronous>, transform_indices = @transform_4, window_bounds = array<i64: 256, 256>}, {pipeline_mode = #tpu.pipeline_mode<synchronous>, transform_indices = @transform_5, window_bounds = array<i64: 1, 256>}, {transform_indices = @transform_6, window_bounds = array<i64: 2, 2000, 128>}]} {
    %get3A = arith.constant 0 : index
    %get3A_0 = arith.constant 0 : index
    %get3A_1 = vector.load %arg1[%get3A, %get3A_0] : memref<2000x256xf32, #tpu.memory_space<vmem>>, vector<2000x256xf32>
    %get3A_2 = arith.constant 0 : index
    %get3A_3 = arith.constant 0 : index
    %get3A_4 = arith.constant 0 : index
    %get3A_5 = vector.load %arg2[%get3A_2, %get3A_3, %get3A_4] : memref<2x2000x128xf32, #tpu.memory_space<vmem>>, vector<1x2000x128xf32>
    %get3A_6 = vector.shape_cast %get3A_5 : vector<1x2000x128xf32> to vector<2000x128xf32>
    %get3A_7 = arith.constant 1 : index
    %get3A_8 = arith.constant 0 : index
    %get3A_9 = arith.constant 0 : index
    %get3A_10 = vector.load %arg2[%get3A_7, %get3A_8, %get3A_9] : memref<2x2000x128xf32, #tpu.memory_space<vmem>>, vector<1x2000x128xf32>
    %get3A_11 = vector.shape_cast %get3A_10 : vector<1x2000x128xf32> to vector<2000x128xf32>
    %concatenate3A = tpu.concatenate %get3A_6, %get3A_11 in 1 : vector<2000x128xf32>, vector<2000x128xf32> -> vector<2000x256xf32>
    %add3A = arith.addf %get3A_1, %concatenate3A : vector<2000x256xf32>
    %get3A_12 = arith.constant 0 : index
    %get3A_13 = arith.constant 0 : index
    %get3A_14 = vector.load %arg3[%get3A_12, %get3A_13] : memref<256x256xf32, #tpu.memory_space<vmem>>, vector<256x256xf32>
    %dot_general3A = arith.constant dense<0.000000e+00> : vector<2000x256xf32>
    %dot_general3A_15 = tpu.matmul %add3A, %get3A_14, %dot_general3A {dimension_numbers = #tpu.dot_dimension_numbers<[1], [0], [0], [1], [0, 0, 1, 1], [], []>, transpose_lhs_hint = false} : vector<2000x256xf32>, vector<256x256xf32>, vector<2000x256xf32> -> vector<2000x256xf32>
    %get3A_16 = arith.constant 0 : index
    %get3A_17 = arith.constant 0 : index
    %get3A_18 = vector.load %arg4[%get3A_16, %get3A_17] : memref<1x256xf32, #tpu.memory_space<vmem>>, vector<1x256xf32>
    %add3A_19 = vector.broadcast %get3A_18 : vector<1x256xf32> to vector<2000x256xf32>
    %add3A_20 = arith.addf %dot_general3A_15, %add3A_19 : vector<2000x256xf32>
    %max3A = arith.constant 0.000000e+00 : f32
    %max3A_21 = vector.broadcast %max3A : f32 to vector<2000x256xf32>
    %max3A_22 = arith.maximumf %add3A_20, %max3A_21 : vector<2000x256xf32>
    %get3A_23 = arith.constant 0 : index
    %get3A_24 = arith.constant 0 : index
    %get3A_25 = vector.load %arg5[%get3A_23, %get3A_24] : memref<256x256xf32, #tpu.memory_space<vmem>>, vector<256x256xf32>
    %dot_general3A_26 = arith.constant dense<0.000000e+00> : vector<2000x256xf32>
    %dot_general3A_27 = tpu.matmul %max3A_22, %get3A_25, %dot_general3A_26 {dimension_numbers = #tpu.dot_dimension_numbers<[1], [0], [0], [1], [0, 0, 1, 1], [], []>, transpose_lhs_hint = false} : vector<2000x256xf32>, vector<256x256xf32>, vector<2000x256xf32> -> vector<2000x256xf32>
    %get3A_28 = arith.constant 0 : index
    %get3A_29 = arith.constant 0 : index
    %get3A_30 = vector.load %arg6[%get3A_28, %get3A_29] : memref<1x256xf32, #tpu.memory_space<vmem>>, vector<1x256xf32>
    %add3A_31 = vector.broadcast %get3A_30 : vector<1x256xf32> to vector<2000x256xf32>
    %add3A_32 = arith.addf %dot_general3A_27, %add3A_31 : vector<2000x256xf32>
    %max3A_33 = arith.constant 0.000000e+00 : f32
    %max3A_34 = vector.broadcast %max3A_33 : f32 to vector<2000x256xf32>
    %max3A_35 = arith.maximumf %add3A_32, %max3A_34 : vector<2000x256xf32>
    %slice3A = vector.extract_strided_slice %max3A_35 {offsets = [0, 0], sizes = [2000, 128], strides = [1, 1]} : vector<2000x256xf32> to vector<2000x128xf32>
    %swap3A = arith.constant 0 : index
    %swap3A_36 = arith.constant 0 : index
    %swap3A_37 = arith.constant 0 : index
    %swap3A_38 = vector.load %arg7[%swap3A, %swap3A_36, %swap3A_37] : memref<2x2000x128xf32, #tpu.memory_space<vmem>>, vector<1x2000x128xf32>
    %swap3A_39 = vector.shape_cast %swap3A_38 : vector<1x2000x128xf32> to vector<2000x128xf32>
    %swap3A_40 = vector.shape_cast %slice3A : vector<2000x128xf32> to vector<1x2000x128xf32>
    tpu.vector_store %arg7[%swap3A, %swap3A_36, %swap3A_37], %swap3A_40 {strides = array<i32>} : memref<2x2000x128xf32, #tpu.memory_space<vmem>>, vector<1x2000x128xf32>,
    %slice3A_41 = vector.extract_strided_slice %max3A_35 {offsets = [0, 128], sizes = [2000, 128], strides = [1, 1]} : vector<2000x256xf32> to vector<2000x128xf32>
    %swap3A_42 = arith.constant 1 : index
    %swap3A_43 = arith.constant 0 : index
    %swap3A_44 = arith.constant 0 : index
    %swap3A_45 = vector.load %arg7[%swap3A_42, %swap3A_43, %swap3A_44] : memref<2x2000x128xf32, #tpu.memory_space<vmem>>, vector<1x2000x128xf32>
    %swap3A_46 = vector.shape_cast %swap3A_45 : vector<1x2000x128xf32> to vector<2000x128xf32>
    %swap3A_47 = vector.shape_cast %slice3A_41 : vector<2000x128xf32> to vector<1x2000x128xf32>
    tpu.vector_store %arg7[%swap3A_42, %swap3A_43, %swap3A_44], %swap3A_47 {strides = array<i32>} : memref<2x2000x128xf32, #tpu.memory_space<vmem>>, vector<1x2000x128xf32>,
    return
  }
  func.func @transform_0(%arg0: i32) -> (i32, i32) {
    %c0_i32 = arith.constant 0 : i32
    %c0_i32_0 = arith.constant 0 : i32
    return %arg0, %c0_i32 : i32, i32
  }
  func.func @transform_1(%arg0: i32) -> (i32, i32, i32) {
    %c0_i32 = arith.constant 0 : i32
    %c0_i32_0 = arith.constant 0 : i32
    %c0_i32_1 = arith.constant 0 : i32
    return %c0_i32, %arg0, %c0_i32_0 : i32, i32, i32
  }
  func.func @transform_2(%arg0: i32) -> (i32, i32) {
    %c0_i32 = arith.constant 0 : i32
    %c0_i32_0 = arith.constant 0 : i32
    %c0_i32_1 = arith.constant 0 : i32
    return %c0_i32, %c0_i32_0 : i32, i32
  }
  func.func @transform_3(%arg0: i32) -> (i32, i32) {
    %c0_i32 = arith.constant 0 : i32
    %c0_i32_0 = arith.constant 0 : i32
    %c0_i32_1 = arith.constant 0 : i32
    return %c0_i32, %c0_i32_0 : i32, i32
  }
  func.func @transform_4(%arg0: i32) -> (i32, i32) {
    %c0_i32 = arith.constant 0 : i32
    %c0_i32_0 = arith.constant 0 : i32
    %c0_i32_1 = arith.constant 0 : i32
    return %c0_i32, %c0_i32_0 : i32, i32
  }
  func.func @transform_5(%arg0: i32) -> (i32, i32) {
    %c0_i32 = arith.constant 0 : i32
    %c0_i32_0 = arith.constant 0 : i32
    %c0_i32_1 = arith.constant 0 : i32
    return %c0_i32, %c0_i32_0 : i32, i32
  }
  func.func @transform_6(%arg0: i32) -> (i32, i32, i32) {
    %c0_i32 = arith.constant 0 : i32
    %c0_i32_0 = arith.constant 0 : i32
    %c0_i32_1 = arith.constant 0 : i32
    return %c0_i32, %arg0, %c0_i32_0 : i32, i32, i32
  }
}

module attributes {stable_mosaic.version = 14 : i64} {
  func.func @_mlp2_body(%arg0: i32, %arg1: memref<2x2000x128xf32, #tpu.memory_space<vmem>>, %arg2: memref<2x2000x128xf32, #tpu.memory_space<vmem>>, %arg3: memref<256x256xf32, #tpu.memory_space<vmem>>, %arg4: memref<1x256xf32, #tpu.memory_space<vmem>>, %arg5: memref<256x256xf32, #tpu.memory_space<vmem>>, %arg6: memref<1x256xf32, #tpu.memory_space<vmem>>, %arg7: memref<1x1x2000xi32, #tpu.memory_space<vmem>>, %arg8: memref<256x128xf32, #tpu.memory_space<vmem>>, %arg9: memref<1x128xf32, #tpu.memory_space<vmem>>, %arg10: memref<64x128xf32, #tpu.memory_space<vmem>>, %arg11: memref<64x256xf32, #tpu.memory_space<vmem>>) attributes {dimension_semantics = [#tpu.dimension_semantics<arbitrary>], iteration_bounds = array<i64: 5>, scalar_prefetch = 0 : i64, scratch_operands = 1 : i64, tpu.core_type = #tpu.core_type<tc>, window_params = [{transform_indices = @transform_0, window_bounds = array<i64: 2, 2000, 128>}, {transform_indices = @transform_1, window_bounds = array<i64: 2, 2000, 128>}, {pipeline_mode = #tpu.pipeline_mode<synchronous>, transform_indices = @transform_2, window_bounds = array<i64: 256, 256>}, {pipeline_mode = #tpu.pipeline_mode<synchronous>, transform_indices = @transform_3, window_bounds = array<i64: 1, 256>}, {pipeline_mode = #tpu.pipeline_mode<synchronous>, transform_indices = @transform_4, window_bounds = array<i64: 256, 256>}, {pipeline_mode = #tpu.pipeline_mode<synchronous>, transform_indices = @transform_5, window_bounds = array<i64: 1, 256>}, {transform_indices = @transform_6, window_bounds = array<i64: 1, 1, 2000>}, {pipeline_mode = #tpu.pipeline_mode<synchronous>, transform_indices = @transform_7, window_bounds = array<i64: 256, 128>}, {pipeline_mode = #tpu.pipeline_mode<synchronous>, transform_indices = @transform_8, window_bounds = array<i64: 1, 128>}, {pipeline_mode = #tpu.pipeline_mode<synchronous>, transform_indices = @transform_9, window_bounds = array<i64: 64, 128>}]} {
    %get3A = arith.constant 0 : index
    %get3A_0 = arith.constant 0 : index
    %get3A_1 = arith.constant 0 : index
    %get3A_2 = vector.load %arg1[%get3A, %get3A_0, %get3A_1] : memref<2x2000x128xf32, #tpu.memory_space<vmem>>, vector<1x2000x128xf32>
    %get3A_3 = vector.shape_cast %get3A_2 : vector<1x2000x128xf32> to vector<2000x128xf32>
    %get3A_4 = arith.constant 1 : index
    %get3A_5 = arith.constant 0 : index
    %get3A_6 = arith.constant 0 : index
    %get3A_7 = vector.load %arg1[%get3A_4, %get3A_5, %get3A_6] : memref<2x2000x128xf32, #tpu.memory_space<vmem>>, vector<1x2000x128xf32>
    %get3A_8 = vector.shape_cast %get3A_7 : vector<1x2000x128xf32> to vector<2000x128xf32>
    %concatenate3A = tpu.concatenate %get3A_3, %get3A_8 in 1 : vector<2000x128xf32>, vector<2000x128xf32> -> vector<2000x256xf32>
    %get3A_9 = arith.constant 0 : index
    %get3A_10 = arith.constant 0 : index
    %get3A_11 = arith.constant 0 : index
    %get3A_12 = vector.load %arg2[%get3A_9, %get3A_10, %get3A_11] : memref<2x2000x128xf32, #tpu.memory_space<vmem>>, vector<1x2000x128xf32>
    %get3A_13 = vector.shape_cast %get3A_12 : vector<1x2000x128xf32> to vector<2000x128xf32>
    %get3A_14 = arith.constant 1 : index
    %get3A_15 = arith.constant 0 : index
    %get3A_16 = arith.constant 0 : index
    %get3A_17 = vector.load %arg2[%get3A_14, %get3A_15, %get3A_16] : memref<2x2000x128xf32, #tpu.memory_space<vmem>>, vector<1x2000x128xf32>
    %get3A_18 = vector.shape_cast %get3A_17 : vector<1x2000x128xf32> to vector<2000x128xf32>
    %concatenate3A_19 = tpu.concatenate %get3A_13, %get3A_18 in 1 : vector<2000x128xf32>, vector<2000x128xf32> -> vector<2000x256xf32>
    %add3A = arith.addf %concatenate3A, %concatenate3A_19 : vector<2000x256xf32>
    %get3A_20 = arith.constant 0 : index
    %get3A_21 = arith.constant 0 : index
    %get3A_22 = vector.load %arg3[%get3A_20, %get3A_21] : memref<256x256xf32, #tpu.memory_space<vmem>>, vector<256x256xf32>
    %dot_general3A = arith.constant dense<0.000000e+00> : vector<2000x256xf32>
    %dot_general3A_23 = tpu.matmul %add3A, %get3A_22, %dot_general3A {dimension_numbers = #tpu.dot_dimension_numbers<[1], [0], [0], [1], [0, 0, 1, 1], [], []>, transpose_lhs_hint = false} : vector<2000x256xf32>, vector<256x256xf32>, vector<2000x256xf32> -> vector<2000x256xf32>
    %get3A_24 = arith.constant 0 : index
    %get3A_25 = arith.constant 0 : index
    %get3A_26 = vector.load %arg4[%get3A_24, %get3A_25] : memref<1x256xf32, #tpu.memory_space<vmem>>, vector<1x256xf32>
    %add3A_27 = vector.broadcast %get3A_26 : vector<1x256xf32> to vector<2000x256xf32>
    %add3A_28 = arith.addf %dot_general3A_23, %add3A_27 : vector<2000x256xf32>
    %max3A = arith.constant 0.000000e+00 : f32
    %max3A_29 = vector.broadcast %max3A : f32 to vector<2000x256xf32>
    %max3A_30 = arith.maximumf %add3A_28, %max3A_29 : vector<2000x256xf32>
    %get3A_31 = arith.constant 0 : index
    %get3A_32 = arith.constant 0 : index
    %get3A_33 = vector.load %arg5[%get3A_31, %get3A_32] : memref<256x256xf32, #tpu.memory_space<vmem>>, vector<256x256xf32>
    %dot_general3A_34 = arith.constant dense<0.000000e+00> : vector<2000x256xf32>
    %dot_general3A_35 = tpu.matmul %max3A_30, %get3A_33, %dot_general3A_34 {dimension_numbers = #tpu.dot_dimension_numbers<[1], [0], [0], [1], [0, 0, 1, 1], [], []>, transpose_lhs_hint = false} : vector<2000x256xf32>, vector<256x256xf32>, vector<2000x256xf32> -> vector<2000x256xf32>
    %get3A_36 = arith.constant 0 : index
    %get3A_37 = arith.constant 0 : index
    %get3A_38 = vector.load %arg6[%get3A_36, %get3A_37] : memref<1x256xf32, #tpu.memory_space<vmem>>, vector<1x256xf32>
    %add3A_39 = vector.broadcast %get3A_38 : vector<1x256xf32> to vector<2000x256xf32>
    %add3A_40 = arith.addf %dot_general3A_35, %add3A_39 : vector<2000x256xf32>
    %max3A_41 = arith.constant 0.000000e+00 : f32
    %max3A_42 = vector.broadcast %max3A_41 : f32 to vector<2000x256xf32>
    %max3A_43 = arith.maximumf %add3A_40, %max3A_42 : vector<2000x256xf32>
    %get3A_44 = arith.constant 0 : index
    %get3A_45 = arith.constant 0 : index
    %get3A_46 = arith.constant 0 : index
    %get3A_47 = vector.load %arg7[%get3A_44, %get3A_45, %get3A_46] : memref<1x1x2000xi32, #tpu.memory_space<vmem>>, vector<1x1x2000xi32>
    %get3A_48 = vector.shape_cast %get3A_47 : vector<1x1x2000xi32> to vector<2000xi32>
    %broadcast_in_dim3A = vector.shape_cast %get3A_48 : vector<2000xi32> to vector<2000x1xi32>
    %iota3A = tpu.iota {dimensions = array<i32: 1>} : vector<2000x64xi32>
    %eq3A = vector.broadcast %broadcast_in_dim3A : vector<2000x1xi32> to vector<2000x64xi32>
    %eq3A_49 = arith.cmpi eq, %eq3A, %iota3A : vector<2000x64xi32>
    %convert_element_type3A = arith.extui %eq3A_49 : vector<2000x64xi1> to vector<2000x64xi32>
    %convert_element_type3A_50 = arith.sitofp %convert_element_type3A : vector<2000x64xi32> to vector<2000x64xf32>
    %dot_general3A_51 = arith.constant dense<0.000000e+00> : vector<64x256xf32>
    %dot_general3A_52 = tpu.matmul %convert_element_type3A_50, %max3A_43, %dot_general3A_51 {dimension_numbers = #tpu.dot_dimension_numbers<[0], [0], [1], [1], [0, 1, 1, 1], [], []>, transpose_lhs_hint = false} : vector<2000x64xf32>, vector<2000x256xf32>, vector<64x256xf32> -> vector<64x256xf32>
    %eq3A_53 = arith.constant 0 : i32
    %eq3A_54 = arith.cmpi eq, %arg0, %eq3A_53 : i32
    %convert_element_type3A_55 = arith.extui %eq3A_54 : i1 to i32
    %cond3A = arith.constant 0 : i32
    %cond3A_56 = arith.cmpi ne, %convert_element_type3A_55, %cond3A : i32
    scf.if %cond3A_56 {
      %swap3A = arith.constant 0 : index
      %swap3A_66 = arith.constant 0 : index
      %swap3A_67 = vector.load %arg11[%swap3A, %swap3A_66] : memref<64x256xf32, #tpu.memory_space<vmem>>, vector<64x256xf32>
      tpu.vector_store %arg11[%swap3A, %swap3A_66], %dot_general3A_52 {strides = array<i32>} : memref<64x256xf32, #tpu.memory_space<vmem>>, vector<64x256xf32>,
    } else {
    }
    %gt3A = arith.constant 0 : i32
    %gt3A_57 = arith.cmpi sgt, %arg0, %gt3A : i32
    %convert_element_type3A_58 = arith.extui %gt3A_57 : i1 to i32
    %cond3A_59 = arith.constant 0 : i32
    %cond3A_60 = arith.cmpi ne, %convert_element_type3A_58, %cond3A_59 : i32
    scf.if %cond3A_60 {
      %get3A_66 = arith.constant 0 : index
      %get3A_67 = arith.constant 0 : index
      %get3A_68 = vector.load %arg11[%get3A_66, %get3A_67] : memref<64x256xf32, #tpu.memory_space<vmem>>, vector<64x256xf32>
      %add3A_69 = arith.addf %get3A_68, %dot_general3A_52 : vector<64x256xf32>
      %swap3A = arith.constant 0 : index
      %swap3A_70 = arith.constant 0 : index
      %swap3A_71 = vector.load %arg11[%swap3A, %swap3A_70] : memref<64x256xf32, #tpu.memory_space<vmem>>, vector<64x256xf32>
      tpu.vector_store %arg11[%swap3A, %swap3A_70], %add3A_69 {strides = array<i32>} : memref<64x256xf32, #tpu.memory_space<vmem>>, vector<64x256xf32>,
    } else {
    }
    %eq3A_61 = arith.constant 4 : i32
    %eq3A_62 = arith.cmpi eq, %arg0, %eq3A_61 : i32
    %convert_element_type3A_63 = arith.extui %eq3A_62 : i1 to i32
    %cond3A_64 = arith.constant 0 : i32
    %cond3A_65 = arith.cmpi ne, %convert_element_type3A_63, %cond3A_64 : i32
    scf.if %cond3A_65 {
      %get3A_66 = arith.constant 0 : index
      %get3A_67 = arith.constant 0 : index
      %get3A_68 = vector.load %arg11[%get3A_66, %get3A_67] : memref<64x256xf32, #tpu.memory_space<vmem>>, vector<64x256xf32>
      %get3A_69 = arith.constant 0 : index
      %get3A_70 = arith.constant 0 : index
      %get3A_71 = vector.load %arg8[%get3A_69, %get3A_70] : memref<256x128xf32, #tpu.memory_space<vmem>>, vector<256x128xf32>
      %dot_general3A_72 = arith.constant dense<0.000000e+00> : vector<64x128xf32>
      %dot_general3A_73 = tpu.matmul %get3A_68, %get3A_71, %dot_general3A_72 {dimension_numbers = #tpu.dot_dimension_numbers<[1], [0], [0], [1], [0, 0, 1, 1], [], []>, transpose_lhs_hint = false} : vector<64x256xf32>, vector<256x128xf32>, vector<64x128xf32> -> vector<64x128xf32>
      %get3A_74 = arith.constant 0 : index
      %get3A_75 = arith.constant 0 : index
      %get3A_76 = vector.load %arg9[%get3A_74, %get3A_75] : memref<1x128xf32, #tpu.memory_space<vmem>>, vector<1x128xf32>
      %add3A_77 = vector.broadcast %get3A_76 : vector<1x128xf32> to vector<64x128xf32>
      %add3A_78 = arith.addf %dot_general3A_73, %add3A_77 : vector<64x128xf32>
      %swap3A = arith.constant 0 : index
      %swap3A_79 = arith.constant 0 : index
      %swap3A_80 = vector.load %arg10[%swap3A, %swap3A_79] : memref<64x128xf32, #tpu.memory_space<vmem>>, vector<64x128xf32>
      tpu.vector_store %arg10[%swap3A, %swap3A_79], %add3A_78 {strides = array<i32>} : memref<64x128xf32, #tpu.memory_space<vmem>>, vector<64x128xf32>,
    } else {
    }
    return
  }
  func.func @transform_0(%arg0: i32) -> (i32, i32, i32) {
    %c0_i32 = arith.constant 0 : i32
    %c0_i32_0 = arith.constant 0 : i32
    %c0_i32_1 = arith.constant 0 : i32
    return %c0_i32, %arg0, %c0_i32_0 : i32, i32, i32
  }
  func.func @transform_1(%arg0: i32) -> (i32, i32, i32) {
    %c0_i32 = arith.constant 0 : i32
    %c0_i32_0 = arith.constant 0 : i32
    %c0_i32_1 = arith.constant 0 : i32
    return %c0_i32, %arg0, %c0_i32_0 : i32, i32, i32
  }
  func.func @transform_2(%arg0: i32) -> (i32, i32) {
    %c0_i32 = arith.constant 0 : i32
    %c0_i32_0 = arith.constant 0 : i32
    %c0_i32_1 = arith.constant 0 : i32
    return %c0_i32, %c0_i32_0 : i32, i32
  }
  func.func @transform_3(%arg0: i32) -> (i32, i32) {
    %c0_i32 = arith.constant 0 : i32
    %c0_i32_0 = arith.constant 0 : i32
    %c0_i32_1 = arith.constant 0 : i32
    return %c0_i32, %c0_i32_0 : i32, i32
  }
  func.func @transform_4(%arg0: i32) -> (i32, i32) {
    %c0_i32 = arith.constant 0 : i32
    %c0_i32_0 = arith.constant 0 : i32
    %c0_i32_1 = arith.constant 0 : i32
    return %c0_i32, %c0_i32_0 : i32, i32
  }
  func.func @transform_5(%arg0: i32) -> (i32, i32) {
    %c0_i32 = arith.constant 0 : i32
    %c0_i32_0 = arith.constant 0 : i32
    %c0_i32_1 = arith.constant 0 : i32
    return %c0_i32, %c0_i32_0 : i32, i32
  }
  func.func @transform_6(%arg0: i32) -> (i32, i32, i32) {
    %c0_i32 = arith.constant 0 : i32
    %c0_i32_0 = arith.constant 0 : i32
    %c0_i32_1 = arith.constant 0 : i32
    return %arg0, %c0_i32, %c0_i32_0 : i32, i32, i32
  }
  func.func @transform_7(%arg0: i32) -> (i32, i32) {
    %c0_i32 = arith.constant 0 : i32
    %c0_i32_0 = arith.constant 0 : i32
    %c0_i32_1 = arith.constant 0 : i32
    return %c0_i32, %c0_i32_0 : i32, i32
  }
  func.func @transform_8(%arg0: i32) -> (i32, i32) {
    %c0_i32 = arith.constant 0 : i32
    %c0_i32_0 = arith.constant 0 : i32
    %c0_i32_1 = arith.constant 0 : i32
    return %c0_i32, %c0_i32_0 : i32, i32
  }
  func.func @transform_9(%arg0: i32) -> (i32, i32) {
    %c0_i32 = arith.constant 0 : i32
    %c0_i32_0 = arith.constant 0 : i32
    %c0_i32_1 = arith.constant 0 : i32
    return %c0_i32, %c0_i32_0 : i32, i32
  }
}

</mosaic_0001>

<sc_bundles>
// kernel: kernel.6.cloned.1.call-start
scs
__scs_entry_jumppad:
0x0: {  	(pc) =	sbr.rel $0x88, $3  }
0x1: {  	(tag) =	ssettag $0x0;
	lr =	simm.s32 $0x1  }
0x2: {  	[smem:$0x3F94] =	sst lr;
	_ =	strace $0xD0000000  }
0x3: {  	_ = 	snop  }
0x4: {  	_ = 	snop  }
0x5: {  	_ = 	snop  }
0x6: {  	_ = 	snop  }
0x7: {  	_ = 	snop  }
__scs_overlays_trampoline_lowered:
0x8: {  	[smem:$0x3FA3] =	sst s0  }
0x9: {  	[smem:$0x3FA4] =	sst s1  }
0xa: {  	[smem:$0x3FA5] =	sst s2  }
0xb: {  	[smem:$0x3FA6] =	sst s3  }
0xc: {  	[smem:$0x3FA7] =	sst s4  }
0xd: {  	[smem:$0x3FA8] =	sst s5  }
0xe: {  	[smem:$0x3FA9] =	sst s6  }
0xf: {  	[smem:$0x3FAA] =	sst s7  }
0x10: {  	[smem:$0x3FAB] =	sst s8  }
0x11: {  	[smem:$0x3FAC] =	sst s9;
	s0 =	simm.s32 @!p0 $0x0  }
0x12: {  	s1 =	sld [smem:$0x3F92];
	s0 =	simm.s32 @p0 $0x1  }
0x13: {  	[smem:$0x3FAD] =	sst s0;
	s0 =	simm.s32 @!p1 $0x0  }
0x14: {  	s2 =	sld [smem:$0x3F91];
	s0 =	simm.s32 @p1 $0x1  }
0x15: {  	[smem:$0x3FAE] =	sst s0;
	s0 =	simm.s32 @!p2 $0x0  }
0x16: {  	s3 =	sld [smem:$0x3FDB];
	s0 =	simm.s32 @p2 $0x1  }
0x17: {  	s4 =	simm.s32 $0x1BF5;
	[smem:$0x3FB0] =	sst s0  }
0x18: {  	s0 =	sld [smem:$0x3F93];
	_ =	swait.ge [sflag:s4], $0x0  }
0x19: {  	s7 =	sld [smem:$0x3F94]  }
0x1a: {  	s8 =	sadd.s32 $0xFFFFE003, lr  }
0x1b: {  	s9 =	sadd.s32 $0xFFFFFEF7, lr;
	s5 =	simm.s32 $0xFFFFFFFF;
	p2 =	slt.u32 s8, $0xFFFFF086  }
0x1c: {  	p1 =	slt.u32 s9, $0xF7A;
	s5 =	simm.s32 @!p2 $0x0  }
0x1d: {  	s5 =	simm.s32 @p1 $0x1;
	p0 =	seq.s32 s7, s2  }
0x1e: {  	s7 =	smul.u32 @!p0 $0xF7A, s2;
	p2 =	seq.s32 @!p0 s5, $0x0  }
0x1f: {  	s9 =	smul.u32 $0xF7A, s1;
	s8 =	simm.s32 @!p0 $0x1BF5;
	p2 =	por !p2, p0  }
0x20: {  	[sflag:s8] =	ssyncset.s32 @!p0 $0xFFFFF086;
	s6 =	sadd.s32 @!p0 s3, s7;
	s7 =	simm.s32 @!p0 $0x108  }
0x21: {  	s3 =	sadd.s32 s3, s9;
	s6 =	sadd.s32 @!p0 $0x88, s6;
	s7 =	simm.s32 @p2 $0x1082  }
0x22: {  	[simem:s7], [sflag:s8] =	dma.local @!p0 [hbm:s6], $0xF7A  }
0x23: {  	s9 =	sor.u32 $0xD0000000, s2;
	s6 =	simm.s32 $0x108;
	_ =	swait.ge @!p0 [sflag:s8], $0x0  }
0x24: {  	s3 =	sadd.s32 $0x88, s3;
	s6 =	simm.s32 @!p1 $0x1082;
	[sflag:s4] =	ssyncset.s32 $0xFFFFF086  }
0x25: {  	[simem:s6], [sflag:s4] =	dma.local [hbm:s3], $0xF7A  }
0x26: {  	[smem:$0x3F94] =	sst s1;
	(tag) =	ssettag s2;
	_ =	strace s9  }
0x27: {  	s1 =	sld [smem:$0x3FA4]  }
0x28: {  	s2 =	sld [smem:$0x3FA5]  }
0x29: {  	s4 =	sld [smem:$0x3FA7]  }
0x2a: {  	p0 =	seq.s32 s5, $0x0;
	s5 =	sld [smem:$0x3FA8]  }
0x2b: {  	s6 =	sld [smem:$0x3FA9]  }
0x2c: {  	s7 =	sld [smem:$0x3FAA]  }
0x2d: {  	s3 =	simm.s32 $0x108;
	s8 =	sld [smem:$0x3FAB]  }
0x2e: {  	s3 =	simm.s32 @!p0 $0x1082;
	s9 =	sld [smem:$0x3FAC]  }
0x2f: {  	lr =	sadd.s32 s0, s3;
	s0 =	sld [smem:$0x3FA3]  }
0x30: {  	s3 =	sld [smem:$0x3FA6]  }
0x31: {  	[smem:$0x3FAF] =	sst s10  }
0x32: {  	s10 =	sld [smem:$0x3FAD];
	_ =	sdelay $0x3  }
0x33: {  	p0 =	seq.s32 s10, $0x1;
	s10 =	sld [smem:$0x3FAF];
	_ =	sdelay $0x3  }
0x34: {  	[smem:$0x3FAF] =	sst s10  }
0x35: {  	s10 =	sld [smem:$0x3FAE];
	_ =	sdelay $0x3  }
0x36: {  	p1 =	seq.s32 s10, $0x1;
	s10 =	sld [smem:$0x3FAF];
	_ =	sdelay $0x3  }
0x37: {  	[smem:$0x3FAF] =	sst s10  }
0x38: {  	s10 =	sld [smem:$0x3FB0]  }
0x39: {  	_ = 	snop;
	(pc) =	sbr.ind lr, $3  }
0x3a: {  	_ = 	snop  }
0x3b: {  	_ = 	snop  }
0x3c: {  	p2 =	seq.s32 s10, $0x1;
	s10 =	sld [smem:$0x3FAF]  }
0x3d: {  	_ =	shalt  }
0x3e: {  	_ =	shalt  }
0x3f: {  	_ =	shalt  }
0x40: {  	_ =	shalt  }
0x41: {  	_ =	shalt  }
0x42: {  	_ =	shalt  }
0x43: {  	_ =	shalt  }
0x44: {  	_ =	shalt  }
0x45: {  	_ =	shalt  }
0x46: {  	_ =	shalt  }
0x47: {  	_ =	shalt  }
0x48: {  	_ =	shalt  }
0x49: {  	_ =	shalt  }
0x4a: {  	_ =	shalt  }
0x4b: {  	_ =	shalt  }
0x4c: {  	_ =	shalt  }
0x4d: {  	_ =	shalt  }
0x4e: {  	_ =	shalt  }
0x4f: {  	_ =	shalt  }
0x50: {  	_ =	shalt  }
0x51: {  	_ =	shalt  }
0x52: {  	_ =	shalt  }
0x53: {  	_ =	shalt  }
0x54: {  	_ =	shalt  }
0x55: {  	_ =	shalt  }
0x56: {  	_ =	shalt  }
0x57: {  	_ =	shalt  }
0x58: {  	_ =	shalt  }
0x59: {  	_ =	shalt  }
0x5a: {  	_ =	shalt  }
0x5b: {  	_ =	shalt  }
0x5c: {  	_ =	shalt  }
0x5d: {  	_ =	shalt  }
0x5e: {  	_ =	shalt  }
0x5f: {  	_ =	shalt  }
0x60: {  	_ =	shalt  }
0x61: {  	_ =	shalt  }
0x62: {  	_ =	shalt  }
0x63: {  	_ =	shalt  }
0x64: {  	_ =	shalt  }
0x65: {  	_ =	shalt  }
0x66: {  	_ =	shalt  }
0x67: {  	_ =	shalt  }
0x68: {  	_ =	shalt  }
0x69: {  	_ =	shalt  }
0x6a: {  	_ =	shalt  }
0x6b: {  	_ =	shalt  }
0x6c: {  	_ =	shalt  }
0x6d: {  	_ =	shalt  }
0x6e: {  	_ =	shalt  }
0x6f: {  	_ =	shalt  }
0x70: {  	_ =	shalt  }
0x71: {  	_ =	shalt  }
0x72: {  	_ =	shalt  }
0x73: {  	_ =	shalt  }
0x74: {  	_ =	shalt  }
0x75: {  	_ =	shalt  }
0x76: {  	_ =	shalt  }
0x77: {  	_ =	shalt  }
0x78: {  	_ =	shalt  }
0x79: {  	_ =	shalt  }
0x7a: {  	_ =	shalt  }
0x7b: {  	_ =	shalt  }
0x7c: {  	_ =	shalt  }
0x7d: {  	_ =	shalt  }
0x7e: {  	_ =	shalt  }
0x7f: {  	_ =	shalt  }
0x80: {  	_ =	shalt  }
0x81: {  	_ =	shalt  }
0x82: {  	_ =	shalt  }
0x83: {  	_ =	shalt  }
0x84: {  	_ =	shalt  }
0x85: {  	_ =	shalt  }
0x86: {  	_ =	shalt  }
0x87: {  	_ =	shalt  }
.Lfunc_end0:
.L_simem_size_0:
called_computation_lowered:
.L_overlay_start_0:
0x88: {  	s2 =	sld [smem:$0x3FD9]  }
0x89: {  	s3 =	sld [smem:$0x3FFE];
	_ =	sdelay $0x1  }
0x8a: {  	s1 =	srdreg.scid  }
0x8b: {  	s0 =	sand.u32 $0x1, s1  }
0x8c: {  	s16 =	sshll.u32 s0, $0xA;
	s2 =	sadd.s32 s3, s2  }
0x8d: {  	s2 =	sadd.s32 s2, s16  }
0x8e: {  	[smem:$0x3FBB] =	sst s2  }
0x8f: {  	_ = 	snop  }
0x90: {  	(tm) =	ssettm $0x1  }
0x91: {  	s17 =	sld [smem:$0x3FFB];
	_ =	sdelay $0x3  }
0x92: {  	_ =	strace s17  }
0x93: {  	s2 =	sld [smem:$0x3FFC];
	_ =	sdelay $0x3  }
0x94: {  	_ =	strace s2  }
0x95: {  	s2 =	sld [smem:$0x3FFD];
	_ =	sdelay $0x3  }
0x96: {  	_ =	strace s2  }
0x97: {  	_ =	strace $0x8FFFFFFF  }
0x98: {  	s18 =	sld [smem:$0x3FDB];
	_ =	sdelay $0x1  }
0x99: {  	s19 =	simm.s32 $_scs_section_size  }
0x9a: {  	s4 =	simm.s32 $_size__tile_overlayer_lowered;
	s5 =	simm.s32 $_tile_overlayer_lowered  }
0x9b: {  	s22 =	simm.s32 $0x1BFF;
	s21 =	sshll.u32 s5, $0x1;
	s2 =	sadd.s32 s19, s18  }
0x9c: {  	s6 =	simm.s32 $0x0;
	s20 =	sshll.u32 s4, $0x1;
	s4 =	sadd.s32 s21, s2  }
0x9d: {  	[timem:s6], [sflag:s22] =	dma.local [hbm:s4], s20  }
0x9e: {  	_ =	swait.ge [sflag:s22], s20  }
0x9f: {  	s3 =	ssub.s32 $0x0, s20;
	[sflag:s22] =	ssyncset.done $0x0  }
0xa0: {  	[sflag:s22] =	ssyncadd.s32 s3;
	_ =	sdelay $0x1  }
0xa1: {  	s23 =	simm.s32 $0x1B8B  }
0xa2: {  	_ =	swait.ge [sflag:s23], $0x1  }
0xa3: {  	[sflag:s23] =	ssyncset.done $0x0  }
0xa4: {  	s25 =	simm.s32 $0x1B8E;
	s24 =	sld [smem:$0x3FFE];
	[sflag:s23] =	ssyncadd.s32 $0xFFFFFFFF  }
0xa5: {  	s26 =	simm.s32 $execute0_lowered;
	[smem:$0x3FD2] =	sst s25  }
0xa6: {  	s4 =	sshll.u32 s26, $0x1;
	_ =	strace $0x80000046;
	[dreg:$0x1] =	wrdreg $0xFFFFFFFF  }
0xa7: {  	s28 =	simm.s32 $_size_execute0_lowered;
	s2 =	sadd.s32 s2, s4;
	[dreg:$0x0] =	wrdreg $0x0  }
0xa8: {  	s4 =	sshll.u32 s28, $0x1;
	[dreg:$0x2] =	wrdreg s2  }
0xa9: {  	[dreg:$0x3] =	wrdreg s4  }
0xaa: {  	[dreg:$0x4] =	wrdreg $0xC0  }
0xab: {  	_ =	task [dreg:s6], $0x5FFFF  }
0xac: {  	[dreg:$0x1] =	wrdreg $0xFFFFFFFF  }
0xad: {  	[dreg:$0x0] =	wrdreg $0x60  }
0xae: {  	[dreg:$0x2] =	wrdreg s24  }
0xaf: {  	[dreg:$0x3] =	wrdreg $0x90000  }
0xb0: {  	[dreg:$0x4] =	wrdreg $0x9  }
0xb1: {  	_ =	task.clear_ibuf [dreg:s6], $0x5FFFF;
	_ =	strace $0x90000046  }
0xb2: {  	s29 =	simm.s32 $0x9;
	_ =	strace $0x80000048  }
0xb3: {  	_ =	swait.ge [sflag:s29], $0x1  }
0xb4: {  	[sflag:s29] =	ssyncadd.s32 $0xFFFFFFFF  }
0xb5: {  	_ =	strace $0x90000048  }
0xb6: {  	_ =	sfence  }
0xb7: {  	s30 =	sld [smem:$0x0];
	_ =	sdelay $0x2  }
0xb8: {  	s31 =	sshll.u32 s1, $0xD;
	s1 =	sshrl.u32 s1, $0x2  }
0xb9: {  	s3 =	sand.u32 $0x4000, s31;
	s1 =	sadd.s32 s1, s30  }
0xba: {  	s0 =	sor.u32 s3, s0;
	s1 =	sshll.u32 s1, $0x11  }
0xbb: {  	s0 =	sor.u32 s1, s0  }
0xbc: {  	s0 =	sadd.s32 $0x8F2B, s0  }
0xbd: {  	[sflag:s0] =	ssyncadd.remote.s32 $0x1  }
0xbe: {  	_ =	sfence.sel $0xFFFF  }
0xbf: {  	[dreg:$0x0] =	wrdreg $0xFFFFFFFF;
	(pc) =	sbr.abs _section_cstart, $3  }
0xc0: {  	[dreg:$0x1] =	wrdreg $0xFFFFFFFF  }
0xc1: {  	_ =	task.clear_ibuf [dreg:s6], $0x2FFFF;
	_ =	strace $0x9FFFFFFF  }
0xc2: {  	(tm) =	ssettm $0x7FFFFFFF  }
0xc3: {  	_ =	shalt  }
tec
execute0_lowered:
.L_overlay_start_1:
0x0: {  	(tag) =	ssettag $0x1  }
0x1: {  	s1 =	srdreg.scid  }
0x2: {  	s0 =	stileid.u32;
	s6 =	rddreg [dreg:$0x0]  }
0x3: {  	s2 =	rddreg [dreg:$0x1];
	s3 =	simm.s32 $0x0;
	s5 =	smul.u32 $0x2800, s0  }
0x4: {  	s14 =	simm.s32 $0x80;
	s15 =	simm.s32 $0x5000;
	s10 =	smul.u32 $0x13C00, s0  }
0x5: {  	s16 =	simm.s32 $0x1;
	s7 =	sand.u32 $0x1, s1;
	s26 =	smul.u32 $0x4F000, s0  }
0x6: {  	s17 =	simm.s32 $0x0;
	s1 =	rddreg [dreg:$0x2];
	s4 =	smul.u32 $0x28000, s7  }
0x7: {  	[smem:$0x7FF] =	sst s3;
	s8 =	smul.u32 $0x13C000, s7;
	s7 =	ssub.s32 $0x2, s7  }
0x8: {  	s31 =	sshll.u32 s0, $0x6;
	_ =	strace $0x80000047;
	s28 =	sshrl.u32 s7, $0x1  }
0x9: {  	s29 =	sshrl.u32 s26, $0x2;
	s4 =	sadd.s32 s5, s4;
	s5 =	sshrl.u32 s5, $0x3  }
0xa: {  	s8 =	sadd.s32 s10, s8;
	s30 =	ssub.s32 s7, s28;
	s13 =	sadd.s32 s29, s2  }
0xb: {  	s9 =	sshrl.u32 s4, $0x3;
	s4 =	sadd.s32 $0x12800, s6;
	s11 =	sadd.s32 s5, s6  }
0xc: {  	s5 =	sadd.s32 $0x60A00, s6;
	s8 =	sshrl.u32 s8, $0x3;
	s10 =	smax.u32 s30, $0x1  }
0xd: {  	s9 =	sadd.s32 s9, s6;
	s12 =	sadd.s32 s8, s6;
	s6 =	sor.u32 $0x1C02, s31  }
0xe: {  	s8 =	sadd.s32 $0x3800, s11;
	s11 =	sshrl.u32 s13, $0x3;
	s13 =	simm.s32 $0x2800  }
0xf: {  	s7 =	sadd.s32 $0x8800, s9;
	s9 =	sadd.s32 $0x63200, s12;
	s12 =	simm.s32 $0x2  }
.LBB2_1:
0x10: {  	[spmem:s11], [sflag:s6] =	dma.local [hbm:s5], $0x2780  }
0x11: {  	_ =	swait.ge [sflag:s12], $0x2780  }
0x12: {  	[sflag:s12] =	ssyncset.done $0x0  }
0x13: {  	[sflag:s12] =	ssyncadd.s32 $0xFFFFD880  }
0x14: {  	[tilespmem:s3], [sflag:$0x2] =	stream.linear.gather [hbm4b:s7+s3], $0x2780, $0x38;
	[tilespmem:$0x1CC00] =	vst v63  }
0x15: {  	_ =	swait.ge [sflag:s12], $0x2780  }
0x16: {  	[sflag:s12] =	ssyncset.done $0x0  }
0x17: {  	[sflag:s12] =	ssyncadd.s32 $0xFFFFD880  }
0x18: {  	[tilespmem:s13], [sflag:$0x2] =	stream.linear.gather [hbm4b:s8+s3], $0x2780, $0x38;
	[tilespmem:$0x1CC00] =	vst v63  }
0x19: {  	_ =	swait.ge [sflag:s12], $0x2780  }
0x1a: {  	[sflag:s12] =	ssyncset.done $0x0  }
0x1b: {  	[sflag:s12] =	ssyncadd.s32 $0xFFFFD880  }
0x1c: {  	s18 =	simm.s32 $0x0;
	[bflag:$0x0] =	sbarrier.arrive $0xFFFF  }
0x1d: {  	[tilespmem:s15], [sflag:$0x1] =	stream.indirect.gather [hbm4b:s4+s14], $0x80, s18, s14, $0xb8;
	[tilespmem:$0x1CC00] =	vst v63  }
0x1e: {  	_ =	swait.ge [sflag:s16], $0x4000  }
0x1f: {  	[sflag:s16] =	ssyncset.done $0x0  }
0x20: {  	s31 =	simm.s32 $0x2800;
	[sflag:s16] =	ssyncadd.s32 $0xFFFFC000  }
0x21: {  	[spmem:s2] =	stream.indirect.scatter.add.f32 [tilespmem:s15], [sflag:$0x2], $0x80, s31, s14, $0xb8;
	[tilespmem:$0x1CC00] =	vst v63  }
0x22: {  	_ =	swait.ge [sflag:s12], $0x4000  }
0x23: {  	s19 =	simm.s32 $0x400;
	s18 =	simm.s32 $0x200;
	[sflag:s12] =	ssyncset.done $0x0  }
.LBB2_2:
0x24: {  	s20 =	sshra.s32 s18, $0x2  }
0x25: {  	[sflag:s12] =	ssyncadd.s32 $0xFFFFC000;
	s18 =	smov.u32 s19;
	s21 =	sadd.s32 $0x200, s19  }
0x26: {  	[tilespmem:s15], [sflag:$0x1] =	stream.indirect.gather [hbm4b:s4+s14], $0x80, s20, s14, $0xb8;
	[tilespmem:$0x1CC00] =	vst v63  }
0x27: {  	p0 =	sne.s32 s19, $0x9C00;
	_ =	swait.ge [sflag:s16], $0x4000  }
.Ltmp0:
0x28: {  	[sflag:s16] =	ssyncset.done $0x0;
	(pc) =	sbr.rel @p0 .LBB2_2-.Ltmp0, $4  }
0x29: {  	s19 =	sadd.s32 $0x2800, s20;
	[sflag:s16] =	ssyncadd.s32 $0xFFFFC000  }
0x2a: {  	[spmem:s2] =	stream.indirect.scatter.add.f32 [tilespmem:s15], [sflag:$0x2], $0x80, s19, s14, $0xb8;
	[tilespmem:$0x1CC00] =	vst v63  }
0x2b: {  	_ =	swait.ge [sflag:s12], $0x4000  }
0x2c: {  	s19 =	smov.u32 s21;
	[sflag:s12] =	ssyncset.done $0x0  }
0x2d: {  	s18 =	sshra.s32 s18, $0x2;
	[sflag:s12] =	ssyncadd.s32 $0xFFFFC000  }
0x2e: {  	[tilespmem:s15], [sflag:$0x1] =	stream.indirect.gather [hbm4b:s4+s14], $0x80, s18, s14, $0xb8;
	[tilespmem:$0x1CC00] =	vst v63  }
0x2f: {  	_ =	swait.ge [sflag:s16], $0x4000  }
0x30: {  	[sflag:s16] =	ssyncset.done $0x0  }
0x31: {  	s18 =	sadd.s32 $0x2800, s18;
	[sflag:s16] =	ssyncadd.s32 $0xFFFFC000  }
0x32: {  	[spmem:s2] =	stream.indirect.scatter.add.f32 [tilespmem:s15], [sflag:$0x2], $0x80, s18, s14, $0xb8;
	[tilespmem:$0x1CC00] =	vst v63  }
0x33: {  	_ =	swait.ge [sflag:s12], $0x4000  }
0x34: {  	s17 =	sadd.s32 $0x1, s17;
	[sflag:s12] =	ssyncset.done $0x0  }
0x35: {  	p0 =	sne.s32 s17, s10;
	[sflag:s12] =	ssyncadd.s32 $0xFFFFC000  }
.Ltmp1:
0x36: {  	[bflag:$0x0] =	sbarrier.arrive $0xFFFF;
	(pc) =	sbr.rel @p0 .LBB2_1-.Ltmp1, $4  }
0x37: {  	[hbm:s9], [sflag:s6] =	dma.local [spmem:s11], $0x2780  }
0x38: {  	_ =	swait.ge [sflag:s12], $0x2780  }
0x39: {  	[sflag:s12] =	ssyncset.done $0x0  }
0x3a: {  	[sflag:s12] =	ssyncadd.s32 $0xFFFFD880  }
0x3b: {  	_ =	sfence.sel $0x180000  }
0x3c: {  	[bflag:$0x0] =	sbarrier.arrive $0xFFFF  }
0x3d: {  	p0 =	sne.s32 s0, $0x0;
	_ =	strace $0x90000047  }
0x3e: {  	s0 =	sadd.s32 @!p0 $0x100000, s1;
	[bflag:$0x2] =	sbarrier.arrive $0xFFFF  }
0x3f: {  	[sflag:s0] =	ssyncadd.tile.s32 @!p0 $0x1;
	_ =	shalt  }
.Lfunc_end2:
_tile_overlayer_lowered:
.L_overlay_start_2:
0x40: {  	(tag) =	ssettag $0x2  }
0x41: {  	s0 =	rddreg [dreg:$0x0];
	s2 =	stileid.u32  }
0x42: {  	s1 =	rddreg [dreg:$0x1];
	p0 =	sne.s32 s2, $0x0  }
0x43: {  	s3 =	rddreg [dreg:$0x2];
	[bflag:$0x3] =	sbarrier.arrive $0xFFFF;
	s2 =	simm.s32 @!p0 $0x1C02  }
0x44: {  	[timem:s3], [sflag:s2] =	dma.local @!p0 [hbm:s0], s1  }
0x45: {  	s0 =	simm.s32 @!p0 $0x2  }
0x46: {  	_ =	swait.ge @!p0 [sflag:s0], s1  }
0x47: {  	s1 =	ssub.s32 @!p0 $0x0, s1;
	[sflag:s0] =	ssyncset.done @!p0 $0x0  }
0x48: {  	[sflag:s0] =	ssyncadd.s32 @!p0 s1  }
0x49: {  	[bflag:$0x3] =	sbarrier.arrive $0xFFFF  }
0x4a: {  	_ =	shalt  }

// kernel: kernel.9.cloned.1.call-start
scs
__scs_entry_jumppad:
0x0: {  	(pc) =	sbr.rel $0x88, $3  }
0x1: {  	(tag) =	ssettag $0x0;
	lr =	simm.s32 $0x1  }
0x2: {  	[smem:$0x3F94] =	sst lr;
	_ =	strace $0xD0000000  }
0x3: {  	_ = 	snop  }
0x4: {  	_ = 	snop  }
0x5: {  	_ = 	snop  }
0x6: {  	_ = 	snop  }
0x7: {  	_ = 	snop  }
__scs_overlays_trampoline_lowered:
0x8: {  	[smem:$0x3FA3] =	sst s0  }
0x9: {  	[smem:$0x3FA4] =	sst s1  }
0xa: {  	[smem:$0x3FA5] =	sst s2  }
0xb: {  	[smem:$0x3FA6] =	sst s3  }
0xc: {  	[smem:$0x3FA7] =	sst s4  }
0xd: {  	[smem:$0x3FA8] =	sst s5  }
0xe: {  	[smem:$0x3FA9] =	sst s6  }
0xf: {  	[smem:$0x3FAA] =	sst s7  }
0x10: {  	[smem:$0x3FAB] =	sst s8  }
0x11: {  	[smem:$0x3FAC] =	sst s9;
	s0 =	simm.s32 @!p0 $0x0  }
0x12: {  	s1 =	sld [smem:$0x3F92];
	s0 =	simm.s32 @p0 $0x1  }
0x13: {  	[smem:$0x3FAD] =	sst s0;
	s0 =	simm.s32 @!p1 $0x0  }
0x14: {  	s2 =	sld [smem:$0x3F91];
	s0 =	simm.s32 @p1 $0x1  }
0x15: {  	[smem:$0x3FAE] =	sst s0;
	s0 =	simm.s32 @!p2 $0x0  }
0x16: {  	s3 =	sld [smem:$0x3FDB];
	s0 =	simm.s32 @p2 $0x1  }
0x17: {  	s4 =	simm.s32 $0x1BF5;
	[smem:$0x3FB0] =	sst s0  }
0x18: {  	s0 =	sld [smem:$0x3F93];
	_ =	swait.ge [sflag:s4], $0x0  }
0x19: {  	s7 =	sld [smem:$0x3F94]  }
0x1a: {  	s8 =	sadd.s32 $0xFFFFE003, lr  }
0x1b: {  	s9 =	sadd.s32 $0xFFFFFEF7, lr;
	s5 =	simm.s32 $0xFFFFFFFF;
	p2 =	slt.u32 s8, $0xFFFFF086  }
0x1c: {  	p1 =	slt.u32 s9, $0xF7A;
	s5 =	simm.s32 @!p2 $0x0  }
0x1d: {  	s5 =	simm.s32 @p1 $0x1;
	p0 =	seq.s32 s7, s2  }
0x1e: {  	s7 =	smul.u32 @!p0 $0xF7A, s2;
	p2 =	seq.s32 @!p0 s5, $0x0  }
0x1f: {  	s9 =	smul.u32 $0xF7A, s1;
	s8 =	simm.s32 @!p0 $0x1BF5;
	p2 =	por !p2, p0  }
0x20: {  	[sflag:s8] =	ssyncset.s32 @!p0 $0xFFFFF086;
	s6 =	sadd.s32 @!p0 s3, s7;
	s7 =	simm.s32 @!p0 $0x108  }
0x21: {  	s3 =	sadd.s32 s3, s9;
	s6 =	sadd.s32 @!p0 $0x88, s6;
	s7 =	simm.s32 @p2 $0x1082  }
0x22: {  	[simem:s7], [sflag:s8] =	dma.local @!p0 [hbm:s6], $0xF7A  }
0x23: {  	s9 =	sor.u32 $0xD0000000, s2;
	s6 =	simm.s32 $0x108;
	_ =	swait.ge @!p0 [sflag:s8], $0x0  }
0x24: {  	s3 =	sadd.s32 $0x88, s3;
	s6 =	simm.s32 @!p1 $0x1082;
	[sflag:s4] =	ssyncset.s32 $0xFFFFF086  }
0x25: {  	[simem:s6], [sflag:s4] =	dma.local [hbm:s3], $0xF7A  }
0x26: {  	[smem:$0x3F94] =	sst s1;
	(tag) =	ssettag s2;
	_ =	strace s9  }
0x27: {  	s1 =	sld [smem:$0x3FA4]  }
0x28: {  	s2 =	sld [smem:$0x3FA5]  }
0x29: {  	s4 =	sld [smem:$0x3FA7]  }
0x2a: {  	p0 =	seq.s32 s5, $0x0;
	s5 =	sld [smem:$0x3FA8]  }
0x2b: {  	s6 =	sld [smem:$0x3FA9]  }
0x2c: {  	s7 =	sld [smem:$0x3FAA]  }
0x2d: {  	s3 =	simm.s32 $0x108;
	s8 =	sld [smem:$0x3FAB]  }
0x2e: {  	s3 =	simm.s32 @!p0 $0x1082;
	s9 =	sld [smem:$0x3FAC]  }
0x2f: {  	lr =	sadd.s32 s0, s3;
	s0 =	sld [smem:$0x3FA3]  }
0x30: {  	s3 =	sld [smem:$0x3FA6]  }
0x31: {  	[smem:$0x3FAF] =	sst s10  }
0x32: {  	s10 =	sld [smem:$0x3FAD];
	_ =	sdelay $0x3  }
0x33: {  	p0 =	seq.s32 s10, $0x1;
	s10 =	sld [smem:$0x3FAF];
	_ =	sdelay $0x3  }
0x34: {  	[smem:$0x3FAF] =	sst s10  }
0x35: {  	s10 =	sld [smem:$0x3FAE];
	_ =	sdelay $0x3  }
0x36: {  	p1 =	seq.s32 s10, $0x1;
	s10 =	sld [smem:$0x3FAF];
	_ =	sdelay $0x3  }
0x37: {  	[smem:$0x3FAF] =	sst s10  }
0x38: {  	s10 =	sld [smem:$0x3FB0]  }
0x39: {  	_ = 	snop;
	(pc) =	sbr.ind lr, $3  }
0x3a: {  	_ = 	snop  }
0x3b: {  	_ = 	snop  }
0x3c: {  	p2 =	seq.s32 s10, $0x1;
	s10 =	sld [smem:$0x3FAF]  }
0x3d: {  	_ =	shalt  }
0x3e: {  	_ =	shalt  }
0x3f: {  	_ =	shalt  }
0x40: {  	_ =	shalt  }
0x41: {  	_ =	shalt  }
0x42: {  	_ =	shalt  }
0x43: {  	_ =	shalt  }
0x44: {  	_ =	shalt  }
0x45: {  	_ =	shalt  }
0x46: {  	_ =	shalt  }
0x47: {  	_ =	shalt  }
0x48: {  	_ =	shalt  }
0x49: {  	_ =	shalt  }
0x4a: {  	_ =	shalt  }
0x4b: {  	_ =	shalt  }
0x4c: {  	_ =	shalt  }
0x4d: {  	_ =	shalt  }
0x4e: {  	_ =	shalt  }
0x4f: {  	_ =	shalt  }
0x50: {  	_ =	shalt  }
0x51: {  	_ =	shalt  }
0x52: {  	_ =	shalt  }
0x53: {  	_ =	shalt  }
0x54: {  	_ =	shalt  }
0x55: {  	_ =	shalt  }
0x56: {  	_ =	shalt  }
0x57: {  	_ =	shalt  }
0x58: {  	_ =	shalt  }
0x59: {  	_ =	shalt  }
0x5a: {  	_ =	shalt  }
0x5b: {  	_ =	shalt  }
0x5c: {  	_ =	shalt  }
0x5d: {  	_ =	shalt  }
0x5e: {  	_ =	shalt  }
0x5f: {  	_ =	shalt  }
0x60: {  	_ =	shalt  }
0x61: {  	_ =	shalt  }
0x62: {  	_ =	shalt  }
0x63: {  	_ =	shalt  }
0x64: {  	_ =	shalt  }
0x65: {  	_ =	shalt  }
0x66: {  	_ =	shalt  }
0x67: {  	_ =	shalt  }
0x68: {  	_ =	shalt  }
0x69: {  	_ =	shalt  }
0x6a: {  	_ =	shalt  }
0x6b: {  	_ =	shalt  }
0x6c: {  	_ =	shalt  }
0x6d: {  	_ =	shalt  }
0x6e: {  	_ =	shalt  }
0x6f: {  	_ =	shalt  }
0x70: {  	_ =	shalt  }
0x71: {  	_ =	shalt  }
0x72: {  	_ =	shalt  }
0x73: {  	_ =	shalt  }
0x74: {  	_ =	shalt  }
0x75: {  	_ =	shalt  }
0x76: {  	_ =	shalt  }
0x77: {  	_ =	shalt  }
0x78: {  	_ =	shalt  }
0x79: {  	_ =	shalt  }
0x7a: {  	_ =	shalt  }
0x7b: {  	_ =	shalt  }
0x7c: {  	_ =	shalt  }
0x7d: {  	_ =	shalt  }
0x7e: {  	_ =	shalt  }
0x7f: {  	_ =	shalt  }
0x80: {  	_ =	shalt  }
0x81: {  	_ =	shalt  }
0x82: {  	_ =	shalt  }
0x83: {  	_ =	shalt  }
0x84: {  	_ =	shalt  }
0x85: {  	_ =	shalt  }
0x86: {  	_ =	shalt  }
0x87: {  	_ =	shalt  }
.Lfunc_end0:
.L_simem_size_0:
called_computation.1_lowered:
.L_overlay_start_0:
0x88: {  	s2 =	sld [smem:$0x3FD9]  }
0x89: {  	s3 =	sld [smem:$0x3FFE];
	_ =	sdelay $0x1  }
0x8a: {  	s1 =	srdreg.scid  }
0x8b: {  	s0 =	sand.u32 $0x1, s1  }
0x8c: {  	s16 =	sshll.u32 s0, $0xA;
	s2 =	sadd.s32 s3, s2  }
0x8d: {  	s2 =	sadd.s32 s2, s16  }
0x8e: {  	[smem:$0x3FBB] =	sst s2  }
0x8f: {  	_ = 	snop  }
0x90: {  	(tm) =	ssettm $0x1  }
0x91: {  	s17 =	sld [smem:$0x3FFB];
	_ =	sdelay $0x3  }
0x92: {  	_ =	strace s17  }
0x93: {  	s2 =	sld [smem:$0x3FFC];
	_ =	sdelay $0x3  }
0x94: {  	_ =	strace s2  }
0x95: {  	s2 =	sld [smem:$0x3FFD];
	_ =	sdelay $0x3  }
0x96: {  	_ =	strace s2  }
0x97: {  	_ =	strace $0x8FFFFFFF  }
0x98: {  	s18 =	sld [smem:$0x3FDB];
	_ =	sdelay $0x1  }
0x99: {  	s19 =	simm.s32 $_scs_section_size  }
0x9a: {  	s4 =	simm.s32 $_size__tile_overlayer_lowered;
	s5 =	simm.s32 $_tile_overlayer_lowered  }
0x9b: {  	s22 =	simm.s32 $0x1BFF;
	s21 =	sshll.u32 s5, $0x1;
	s2 =	sadd.s32 s19, s18  }
0x9c: {  	s6 =	simm.s32 $0x0;
	s20 =	sshll.u32 s4, $0x1;
	s4 =	sadd.s32 s21, s2  }
0x9d: {  	[timem:s6], [sflag:s22] =	dma.local [hbm:s4], s20  }
0x9e: {  	_ =	swait.ge [sflag:s22], s20  }
0x9f: {  	s3 =	ssub.s32 $0x0, s20;
	[sflag:s22] =	ssyncset.done $0x0  }
0xa0: {  	[sflag:s22] =	ssyncadd.s32 s3;
	_ =	sdelay $0x1  }
0xa1: {  	s23 =	simm.s32 $0x1B8B  }
0xa2: {  	_ =	swait.ge [sflag:s23], $0x1  }
0xa3: {  	[sflag:s23] =	ssyncset.done $0x0  }
0xa4: {  	s25 =	simm.s32 $0x1B8E;
	s24 =	sld [smem:$0x3FFE];
	[sflag:s23] =	ssyncadd.s32 $0xFFFFFFFF  }
0xa5: {  	s26 =	simm.s32 $execute0_lowered;
	[smem:$0x3FD2] =	sst s25  }
0xa6: {  	s4 =	sshll.u32 s26, $0x1;
	_ =	strace $0x80000049;
	[dreg:$0x1] =	wrdreg $0xFFFFFFFF  }
0xa7: {  	s28 =	simm.s32 $_size_execute0_lowered;
	s2 =	sadd.s32 s2, s4;
	[dreg:$0x0] =	wrdreg $0x0  }
0xa8: {  	s4 =	sshll.u32 s28, $0x1;
	[dreg:$0x2] =	wrdreg s2  }
0xa9: {  	[dreg:$0x3] =	wrdreg s4  }
0xaa: {  	[dreg:$0x4] =	wrdreg $0xC0  }
0xab: {  	_ =	task [dreg:s6], $0x5FFFF  }
0xac: {  	[dreg:$0x1] =	wrdreg $0xFFFFFFFF  }
0xad: {  	[dreg:$0x0] =	wrdreg $0x60  }
0xae: {  	[dreg:$0x2] =	wrdreg s24  }
0xaf: {  	[dreg:$0x3] =	wrdreg $0x90000  }
0xb0: {  	[dreg:$0x4] =	wrdreg $0x9  }
0xb1: {  	_ =	task.clear_ibuf [dreg:s6], $0x5FFFF;
	_ =	strace $0x90000049  }
0xb2: {  	s29 =	simm.s32 $0x9;
	_ =	strace $0x8000004B  }
0xb3: {  	_ =	swait.ge [sflag:s29], $0x1  }
0xb4: {  	[sflag:s29] =	ssyncadd.s32 $0xFFFFFFFF  }
0xb5: {  	_ =	strace $0x9000004B  }
0xb6: {  	_ =	sfence  }
0xb7: {  	s30 =	sld [smem:$0x0];
	_ =	sdelay $0x2  }
0xb8: {  	s31 =	sshll.u32 s1, $0xD;
	s1 =	sshrl.u32 s1, $0x2  }
0xb9: {  	s3 =	sand.u32 $0x4000, s31;
	s1 =	sadd.s32 s1, s30  }
0xba: {  	s0 =	sor.u32 s3, s0;
	s1 =	sshll.u32 s1, $0x11  }
0xbb: {  	s0 =	sor.u32 s1, s0  }
0xbc: {  	s0 =	sadd.s32 $0x8F2B, s0  }
0xbd: {  	[sflag:s0] =	ssyncadd.remote.s32 $0x1  }
0xbe: {  	_ =	sfence.sel $0xFFFF  }
0xbf: {  	[dreg:$0x0] =	wrdreg $0xFFFFFFFF;
	(pc) =	sbr.abs _section_cstart, $3  }
0xc0: {  	[dreg:$0x1] =	wrdreg $0xFFFFFFFF  }
0xc1: {  	_ =	task.clear_ibuf [dreg:s6], $0x2FFFF;
	_ =	strace $0x9FFFFFFF  }
0xc2: {  	(tm) =	ssettm $0x7FFFFFFF  }
0xc3: {  	_ =	shalt  }
tec
execute0_lowered:
.L_overlay_start_1:
0x0: {  	(tag) =	ssettag $0x1  }
0x1: {  	s1 =	srdreg.scid  }
0x2: {  	s0 =	stileid.u32;
	s6 =	rddreg [dreg:$0x0]  }
0x3: {  	s2 =	rddreg [dreg:$0x1];
	s3 =	simm.s32 $0x0;
	s5 =	smul.u32 $0x2800, s0  }
0x4: {  	s14 =	simm.s32 $0x80;
	s15 =	simm.s32 $0x5000;
	s10 =	smul.u32 $0x13C00, s0  }
0x5: {  	s16 =	simm.s32 $0x1;
	s7 =	sand.u32 $0x1, s1;
	s26 =	smul.u32 $0x4F000, s0  }
0x6: {  	s17 =	simm.s32 $0x0;
	s1 =	rddreg [dreg:$0x2];
	s4 =	smul.u32 $0x28000, s7  }
0x7: {  	[smem:$0x7FF] =	sst s3;
	s8 =	smul.u32 $0x13C000, s7;
	s7 =	ssub.s32 $0x2, s7  }
0x8: {  	s31 =	sshll.u32 s0, $0x6;
	_ =	strace $0x8000004A;
	s28 =	sshrl.u32 s7, $0x1  }
0x9: {  	s29 =	sshrl.u32 s26, $0x2;
	s4 =	sadd.s32 s5, s4;
	s5 =	sshrl.u32 s5, $0x3  }
0xa: {  	s8 =	sadd.s32 s10, s8;
	s30 =	ssub.s32 s7, s28;
	s13 =	sadd.s32 s29, s2  }
0xb: {  	s9 =	sshrl.u32 s4, $0x3;
	s4 =	sadd.s32 $0x12800, s6;
	s11 =	sadd.s32 s5, s6  }
0xc: {  	s5 =	sadd.s32 $0x60A00, s6;
	s8 =	sshrl.u32 s8, $0x3;
	s10 =	smax.u32 s30, $0x1  }
0xd: {  	s9 =	sadd.s32 s9, s6;
	s12 =	sadd.s32 s8, s6;
	s6 =	sor.u32 $0x1C02, s31  }
0xe: {  	s8 =	sadd.s32 $0x3800, s11;
	s11 =	sshrl.u32 s13, $0x3;
	s13 =	simm.s32 $0x2800  }
0xf: {  	s7 =	sadd.s32 $0x8800, s9;
	s9 =	sadd.s32 $0x63200, s12;
	s12 =	simm.s32 $0x2  }
.LBB2_1:
0x10: {  	[spmem:s11], [sflag:s6] =	dma.local [hbm:s5], $0x2780  }
0x11: {  	_ =	swait.ge [sflag:s12], $0x2780  }
0x12: {  	[sflag:s12] =	ssyncset.done $0x0  }
0x13: {  	[sflag:s12] =	ssyncadd.s32 $0xFFFFD880  }
0x14: {  	[tilespmem:s3], [sflag:$0x2] =	stream.linear.gather [hbm4b:s7+s3], $0x2780, $0x38;
	[tilespmem:$0x1CC00] =	vst v63  }
0x15: {  	_ =	swait.ge [sflag:s12], $0x2780  }
0x16: {  	[sflag:s12] =	ssyncset.done $0x0  }
0x17: {  	[sflag:s12] =	ssyncadd.s32 $0xFFFFD880  }
0x18: {  	[tilespmem:s13], [sflag:$0x2] =	stream.linear.gather [hbm4b:s8+s3], $0x2780, $0x38;
	[tilespmem:$0x1CC00] =	vst v63  }
0x19: {  	_ =	swait.ge [sflag:s12], $0x2780  }
0x1a: {  	[sflag:s12] =	ssyncset.done $0x0  }
0x1b: {  	[sflag:s12] =	ssyncadd.s32 $0xFFFFD880  }
0x1c: {  	s18 =	simm.s32 $0x0;
	[bflag:$0x0] =	sbarrier.arrive $0xFFFF  }
0x1d: {  	[tilespmem:s15], [sflag:$0x1] =	stream.indirect.gather [hbm4b:s4+s14], $0x80, s18, s14, $0xb8;
	[tilespmem:$0x1CC00] =	vst v63  }
0x1e: {  	_ =	swait.ge [sflag:s16], $0x4000  }
0x1f: {  	[sflag:s16] =	ssyncset.done $0x0  }
0x20: {  	s31 =	simm.s32 $0x2800;
	[sflag:s16] =	ssyncadd.s32 $0xFFFFC000  }
0x21: {  	[spmem:s2] =	stream.indirect.scatter.add.f32 [tilespmem:s15], [sflag:$0x2], $0x80, s31, s14, $0xb8;
	[tilespmem:$0x1CC00] =	vst v63  }
0x22: {  	_ =	swait.ge [sflag:s12], $0x4000  }
0x23: {  	s19 =	simm.s32 $0x400;
	s18 =	simm.s32 $0x200;
	[sflag:s12] =	ssyncset.done $0x0  }
.LBB2_2:
0x24: {  	s20 =	sshra.s32 s18, $0x2  }
0x25: {  	[sflag:s12] =	ssyncadd.s32 $0xFFFFC000;
	s18 =	smov.u32 s19;
	s21 =	sadd.s32 $0x200, s19  }
0x26: {  	[tilespmem:s15], [sflag:$0x1] =	stream.indirect.gather [hbm4b:s4+s14], $0x80, s20, s14, $0xb8;
	[tilespmem:$0x1CC00] =	vst v63  }
0x27: {  	p0 =	sne.s32 s19, $0x9C00;
	_ =	swait.ge [sflag:s16], $0x4000  }
.Ltmp0:
0x28: {  	[sflag:s16] =	ssyncset.done $0x0;
	(pc) =	sbr.rel @p0 .LBB2_2-.Ltmp0, $4  }
0x29: {  	s19 =	sadd.s32 $0x2800, s20;
	[sflag:s16] =	ssyncadd.s32 $0xFFFFC000  }
0x2a: {  	[spmem:s2] =	stream.indirect.scatter.add.f32 [tilespmem:s15], [sflag:$0x2], $0x80, s19, s14, $0xb8;
	[tilespmem:$0x1CC00] =	vst v63  }
0x2b: {  	_ =	swait.ge [sflag:s12], $0x4000  }
0x2c: {  	s19 =	smov.u32 s21;
	[sflag:s12] =	ssyncset.done $0x0  }
0x2d: {  	s18 =	sshra.s32 s18, $0x2;
	[sflag:s12] =	ssyncadd.s32 $0xFFFFC000  }
0x2e: {  	[tilespmem:s15], [sflag:$0x1] =	stream.indirect.gather [hbm4b:s4+s14], $0x80, s18, s14, $0xb8;
	[tilespmem:$0x1CC00] =	vst v63  }
0x2f: {  	_ =	swait.ge [sflag:s16], $0x4000  }
0x30: {  	[sflag:s16] =	ssyncset.done $0x0  }
0x31: {  	s18 =	sadd.s32 $0x2800, s18;
	[sflag:s16] =	ssyncadd.s32 $0xFFFFC000  }
0x32: {  	[spmem:s2] =	stream.indirect.scatter.add.f32 [tilespmem:s15], [sflag:$0x2], $0x80, s18, s14, $0xb8;
	[tilespmem:$0x1CC00] =	vst v63  }
0x33: {  	_ =	swait.ge [sflag:s12], $0x4000  }
0x34: {  	s17 =	sadd.s32 $0x1, s17;
	[sflag:s12] =	ssyncset.done $0x0  }
0x35: {  	p0 =	sne.s32 s17, s10;
	[sflag:s12] =	ssyncadd.s32 $0xFFFFC000  }
.Ltmp1:
0x36: {  	[bflag:$0x0] =	sbarrier.arrive $0xFFFF;
	(pc) =	sbr.rel @p0 .LBB2_1-.Ltmp1, $4  }
0x37: {  	[hbm:s9], [sflag:s6] =	dma.local [spmem:s11], $0x2780  }
0x38: {  	_ =	swait.ge [sflag:s12], $0x2780  }
0x39: {  	[sflag:s12] =	ssyncset.done $0x0  }
0x3a: {  	[sflag:s12] =	ssyncadd.s32 $0xFFFFD880  }
0x3b: {  	_ =	sfence.sel $0x180000  }
0x3c: {  	[bflag:$0x0] =	sbarrier.arrive $0xFFFF  }
0x3d: {  	p0 =	sne.s32 s0, $0x0;
	_ =	strace $0x9000004A  }
0x3e: {  	s0 =	sadd.s32 @!p0 $0x100000, s1;
	[bflag:$0x2] =	sbarrier.arrive $0xFFFF  }
0x3f: {  	[sflag:s0] =	ssyncadd.tile.s32 @!p0 $0x1;
	_ =	shalt  }
.Lfunc_end2:
_tile_overlayer_lowered:
.L_overlay_start_2:
0x40: {  	(tag) =	ssettag $0x2  }
0x41: {  	s0 =	rddreg [dreg:$0x0];
	s2 =	stileid.u32  }
0x42: {  	s1 =	rddreg [dreg:$0x1];
	p0 =	sne.s32 s2, $0x0  }
0x43: {  	s3 =	rddreg [dreg:$0x2];
	[bflag:$0x3] =	sbarrier.arrive $0xFFFF;
	s2 =	simm.s32 @!p0 $0x1C02  }
0x44: {  	[timem:s3], [sflag:s2] =	dma.local @!p0 [hbm:s0], s1  }
0x45: {  	s0 =	simm.s32 @!p0 $0x2  }
0x46: {  	_ =	swait.ge @!p0 [sflag:s0], s1  }
0x47: {  	s1 =	ssub.s32 @!p0 $0x0, s1;
	[sflag:s0] =	ssyncset.done @!p0 $0x0  }
0x48: {  	[sflag:s0] =	ssyncadd.s32 @!p0 s1  }
0x49: {  	[bflag:$0x3] =	sbarrier.arrive $0xFFFF  }
0x4a: {  	_ =	shalt  }

</sc_bundles>
